<compile_context>
chip_gen: v7x
topology: tpu7x:2x2x1
jax: 0.10.2.dev20260603
libtpu: 0.0.44.dev20260713+nightly
codegen_flags: <defaults>
</compile_context>

<pallas_src>
import functools

import jax
import jax.numpy as jnp
from jax import lax
from jax.experimental import pallas as pl
from jax.experimental.pallas import tpu as pltpu
from jax.experimental.pallas import tpu_sc as plsc

N_PAD = 10240
C_PAD = 40
NC, NS = 2, 16
NW = NC * NS
EB = 128
PB = 8
ROWS_W = N_PAD // NW
ROWS_S = N_PAD // NS


def _sc_mesh():
    return plsc.VectorSubcoreMesh(core_axis_name="c", subcore_axis_name="s")


def _make_deg_kernel(nb):
    @functools.partial(
        pl.kernel,
        mesh=_sc_mesh(),
        out_type=jax.ShapeDtypeStruct((NW, N_PAD), jnp.float32),
        scratch_types=[
            pltpu.VMEM((nb, EB), jnp.int32),
            pltpu.VMEM((N_PAD,), jnp.float32),
        ],
        compiler_params=pltpu.CompilerParams(needs_layout_passes=False),
    )
    def deg_kernel(dst_hbm, zeros_hbm, out_hbm, dst_v, deg_v):
        c = lax.axis_index("c")
        s = lax.axis_index("s")
        wid = c * NS + s

        pltpu.sync_copy(zeros_hbm, deg_v)
        pltpu.sync_copy(dst_hbm.at[wid], dst_v)

        ones = jnp.ones((16,), jnp.float32)

        def edge_body(b, _):
            for j in range(EB // 16):
                idx = dst_v[b, pl.ds(j * 16, 16)]
                plsc.addupdate_scatter(deg_v, [idx], ones)
            return 0

        lax.fori_loop(0, nb, edge_body, 0)

        pltpu.sync_copy(deg_v, out_hbm.at[wid])

    return deg_kernel


def _make_hop_kernel(nb):
    @functools.partial(
        pl.kernel,
        mesh=_sc_mesh(),
        out_type=jax.ShapeDtypeStruct((NC * N_PAD, C_PAD), jnp.float32),
        scratch_types=[
            pltpu.VMEM((nb, EB), jnp.int32),
            pltpu.VMEM((nb, EB), jnp.int32),
            pltpu.VMEM((EB, C_PAD), jnp.float32),
            pltpu.VMEM((EB, C_PAD), jnp.float32),
            pltpu.VMEM_SHARED((N_PAD, C_PAD), jnp.float32),
            pltpu.VMEM_SHARED((N_PAD, C_PAD), jnp.float32),
            pltpu.SemaphoreType.DMA,
            pltpu.SemaphoreType.DMA,
        ],
        compiler_params=pltpu.CompilerParams(use_tc_tiling_on_sc=False),
    )
    def hop_kernel(z_hbm, src_hbm, dst_hbm, out_hbm, src_v, dst_v, buf_a, buf_b,
                   z_s, acc, sem_a, sem_b):
        c = lax.axis_index("c")
        s = lax.axis_index("s")
        wid = c * NS + s

        r0 = s * ROWS_S
        stage = [
            pltpu.async_copy(
                z_hbm.at[pl.ds(r0, ROWS_S)], z_s.at[pl.ds(r0, ROWS_S)], sem_a
            ),
            pltpu.async_copy(
                z_hbm.at[pl.ds(r0, ROWS_S)], acc.at[pl.ds(r0, ROWS_S)], sem_a
            ),
            pltpu.async_copy(src_hbm.at[wid], src_v, sem_b),
            pltpu.async_copy(dst_hbm.at[wid], dst_v, sem_b),
        ]
        for d in stage:
            d.wait()
        plsc.subcore_barrier()

        def gather(b, buf, sem):
            pltpu.async_copy(z_s.at[src_v.at[b]], buf, sem)

        def gwait(buf, sem):
            pltpu.make_async_copy(z_hbm.at[pl.ds(0, EB)], buf, sem).wait()

        def scatter(b, buf):
            pltpu.sync_copy(buf, acc.at[dst_v.at[b]], add=True)

        gather(0, buf_a, sem_a)

        def edge_body(i, _):
            b0 = 2 * i
            gather(b0 + 1, buf_b, sem_b)
            gwait(buf_a, sem_a)
            scatter(b0, buf_a)
            gather(b0 + 2, buf_a, sem_a)
            gwait(buf_b, sem_b)
            scatter(b0 + 1, buf_b)
            return 0

        lax.fori_loop(0, nb // 2 - 1, edge_body, 0)

        gather(nb - 1, buf_b, sem_b)
        gwait(buf_a, sem_a)
        scatter(nb - 2, buf_a)
        gwait(buf_b, sem_b)
        scatter(nb - 1, buf_b)

        plsc.subcore_barrier()
        pltpu.sync_copy(
            acc.at[pl.ds(r0, ROWS_S)],
            out_hbm.at[pl.ds(c * N_PAD + r0, ROWS_S)],
        )

    return hop_kernel


_RB = 1024


def _tc_a_body(x_ref, w_ref, degp_ref, z1_ref, norm_ref, invd_ref):
    deg = 1.0 + jnp.sum(degp_ref[...], axis=0)
    norm = lax.rsqrt(deg)
    invd = 1.0 / deg
    y = jnp.dot(x_ref[...], w_ref[...], preferred_element_type=jnp.float32)
    z1_ref[...] = y * norm[:, None]
    norm_ref[...] = norm[:, None]
    invd_ref[...] = invd[:, None]


def _tc_a(x_pad, w_pad, deg_parts):
    grid = (N_PAD // _RB,)
    return pl.pallas_call(
        _tc_a_body,
        grid=grid,
        in_specs=[
            pl.BlockSpec((_RB, 128), lambda i: (i, 0)),
            pl.BlockSpec((128, C_PAD), lambda i: (0, 0)),
            pl.BlockSpec((NW, _RB), lambda i: (0, i)),
        ],
        out_specs=[
            pl.BlockSpec((_RB, C_PAD), lambda i: (i, 0)),
            pl.BlockSpec((_RB, 1), lambda i: (i, 0)),
            pl.BlockSpec((_RB, 1), lambda i: (i, 0)),
        ],
        out_shape=[
            jax.ShapeDtypeStruct((N_PAD, C_PAD), jnp.float32),
            jax.ShapeDtypeStruct((N_PAD, 1), jnp.float32),
            jax.ShapeDtypeStruct((N_PAD, 1), jnp.float32),
        ],
    )(x_pad, w_pad, deg_parts)


def _tc_combine_body(p_ref, prev_ref, scale_ref, out_ref):
    tot = p_ref[0] + p_ref[1] - prev_ref[...]
    out_ref[...] = tot * scale_ref[...]


def _tc_combine(parts, prev, scale):
    grid = (N_PAD // _RB,)
    return pl.pallas_call(
        _tc_combine_body,
        grid=grid,
        in_specs=[
            pl.BlockSpec((2, _RB, C_PAD), lambda i: (0, i, 0)),
            pl.BlockSpec((_RB, C_PAD), lambda i: (i, 0)),
            pl.BlockSpec((_RB, 1), lambda i: (i, 0)),
        ],
        out_specs=pl.BlockSpec((_RB, C_PAD), lambda i: (i, 0)),
        out_shape=jax.ShapeDtypeStruct((N_PAD, C_PAD), jnp.float32),
    )(parts, prev, scale)


def kernel(x, edge_index, W):
    n, d = x.shape
    c_out = W.shape[1]
    e = edge_index.shape[1]

    epw = -(-e // NW)
    epw = -(-epw // (PB * EB)) * (PB * EB)
    nb = epw // EB
    e_pad = NW * epw
    src = edge_index[0].astype(jnp.int32)
    dst = edge_index[1].astype(jnp.int32)
    fill = jnp.full((e_pad - e,), N_PAD - 1, jnp.int32)
    src3 = jnp.concatenate([src, fill]).reshape(NW, nb, EB)
    dst3 = jnp.concatenate([dst, fill]).reshape(NW, nb, EB)

    x_pad = jnp.zeros((N_PAD, d), x.dtype).at[:n].set(x)
    w_pad = jnp.zeros((d, C_PAD), W.dtype).at[:, :c_out].set(W)

    deg_parts = _make_deg_kernel(nb)(dst3, jnp.zeros((N_PAD,), jnp.float32))
    z1, norm, invd = _tc_a(x_pad, w_pad, deg_parts)

    hop = _make_hop_kernel(nb)
    p1 = hop(z1, src3, dst3).reshape(NC, N_PAD, C_PAD)
    z3 = _tc_combine(p1, z1, invd)
    p2 = hop(z3, src3, dst3).reshape(NC, N_PAD, C_PAD)
    out = _tc_combine(p2, z3, norm)

    return out[:n, :c_out]

# --- scband reference (transcript-rebuilt; emitter-appended) ---
"""Pipeline reference for scband-sgc-61692910239768 (READ-ONLY COPY).

The authoritative reference and input builder live on the scoring server;
editing this copy changes nothing except your own understanding.
"""

import jax, jax.numpy as jnp
import numpy as np

N_NODES = 10000
N_EDGES = 320000
D_FEAT = 128
NUM_CLASSES = 40
K_HOPS = 2


def setup_inputs(seed: int = 0) -> dict:
    key = jax.random.key(seed)
    k1, k2, k3 = jax.random.split(key, 3)
    x = jax.random.normal(k1, (N_NODES, D_FEAT), dtype=jnp.float32)
    edge_index = jax.random.randint(k2, (2, N_EDGES), 0, N_NODES, dtype=jnp.int64)
    # Linear layer weight of SGConv (in_feats=D_FEAT, out_feats=NUM_CLASSES, bias=False)
    W = jax.random.normal(k3, (D_FEAT, NUM_CLASSES), dtype=jnp.float32) * (1.0 / np.sqrt(D_FEAT))
    return {"x": x, "edge_index": edge_index, "W": W}


def reference(x, edge_index, W):
    # SGC: ensure self-loop, then SGConv with k=2 symmetric normalization, then linear.
    N = x.shape[0]
    self_loop = jnp.arange(N, dtype=edge_index.dtype)
    src = jnp.concatenate([edge_index[0], self_loop])
    dst = jnp.concatenate([edge_index[1], self_loop])
    # in-degree on graph with self-loops
    deg = jnp.zeros((N,), dtype=x.dtype).at[dst].add(1.0)
    norm = jax.lax.rsqrt(jnp.clip(deg, 1.0, None))
    h = x
    for _ in range(K_HOPS):
        h = h * norm[:, None]
        msgs = jnp.take(h, src, axis=0)
        h = jax.ops.segment_sum(msgs, dst, num_segments=N)
        h = h * norm[:, None]
    return h @ W

if __name__ == "__main__":
    import jax
    _d = setup_inputs()
    print(jax.jit(kernel)(*tuple(_d.values())))

</pallas_src>

<mosaic_0001>
#map = affine_map<(d0, d1) -> (0, 0)>
#map1 = affine_map<(d0, d1) -> (0, 0, 0)>
module attributes {stable_mosaic.version = 14 : i64} {
  func.func @hop_kernel(%arg0: i32, %arg1: i32, %arg2: memref<10240x40xf32, #tpu.memory_space<hbm>>, %arg3: memref<32x80x128xi32, #tpu.memory_space<hbm>>, %arg4: memref<32x80x128xi32, #tpu.memory_space<hbm>>, %arg5: memref<20480x40xf32, #tpu.memory_space<hbm>>, %arg6: memref<80x128xi32, #tpu.memory_space<vmem>>, %arg7: memref<80x128xi32, #tpu.memory_space<vmem>>, %arg8: memref<128x40xf32, #tpu.memory_space<vmem>>, %arg9: memref<128x40xf32, #tpu.memory_space<vmem>>, %arg10: memref<10240x40xf32, #tpu.memory_space<vmem_shared>>, %arg11: memref<10240x40xf32, #tpu.memory_space<vmem_shared>>, %arg12: memref<!tpu.dma_semaphore, #tpu.memory_space<semaphore_mem>>, %arg13: memref<!tpu.dma_semaphore, #tpu.memory_space<semaphore_mem>>) attributes {dimension_semantics = [#tpu.dimension_semantics<core_parallel>, #tpu.dimension_semantics<subcore_parallel>], iteration_bounds = array<i64: 2, 16>, scalar_prefetch = 0 : i64, scratch_operands = 8 : i64, tpu.core_type = #tpu.core_type<sc_vector_subcore>, window_params = [{transform_indices = #map}, {transform_indices = #map1}, {transform_indices = #map1}, {transform_indices = #map}]} {
    %mul3A = arith.constant 16 : i32
    %mul3A_0 = arith.muli %arg0, %mul3A : i32
    %add3A = arith.addi %mul3A_0, %arg1 : i32
    %mul3A_1 = arith.constant 640 : i32
    %mul3A_2 = arith.muli %arg1, %mul3A_1 : i32
    %dma_start3A = arith.constant 0 : i32
    %dma_start3A_3 = tpu.memref_slice %arg10[%mul3A_2, %dma_start3A] : memref<10240x40xf32, #tpu.memory_space<vmem_shared>> -> memref<640x40xf32, #tpu.memory_space<vmem_shared>>
    %dma_start3A_4 = arith.constant 0 : i32
    %dma_start3A_5 = tpu.memref_slice %arg2[%mul3A_2, %dma_start3A_4] : memref<10240x40xf32, #tpu.memory_space<hbm>> -> memref<640x40xf32, #tpu.memory_space<hbm>>
    tpu.enqueue_dma source(%dma_start3A_5 : memref<640x40xf32, #tpu.memory_space<hbm>>) target(%dma_start3A_3 : memref<640x40xf32, #tpu.memory_space<vmem_shared>>) target_semaphore(%arg12 : memref<!tpu.dma_semaphore, #tpu.memory_space<semaphore_mem>>)
    %dma_start3A_6 = arith.constant 0 : i32
    %dma_start3A_7 = tpu.memref_slice %arg11[%mul3A_2, %dma_start3A_6] : memref<10240x40xf32, #tpu.memory_space<vmem_shared>> -> memref<640x40xf32, #tpu.memory_space<vmem_shared>>
    %dma_start3A_8 = arith.constant 0 : i32
    %dma_start3A_9 = tpu.memref_slice %arg2[%mul3A_2, %dma_start3A_8] : memref<10240x40xf32, #tpu.memory_space<hbm>> -> memref<640x40xf32, #tpu.memory_space<hbm>>
    tpu.enqueue_dma source(%dma_start3A_9 : memref<640x40xf32, #tpu.memory_space<hbm>>) target(%dma_start3A_7 : memref<640x40xf32, #tpu.memory_space<vmem_shared>>) target_semaphore(%arg12 : memref<!tpu.dma_semaphore, #tpu.memory_space<semaphore_mem>>)
    %dma_start3A_10 = arith.constant 0 : i32
    %dma_start3A_11 = arith.constant 0 : i32
    %dma_start3A_12 = tpu.memref_slice %arg3[%add3A, %dma_start3A_10, %dma_start3A_11] : memref<32x80x128xi32, #tpu.memory_space<hbm>> -> memref<1x80x128xi32, #tpu.memory_space<hbm>>
    %dma_start3A_13 = tpu.memref_squeeze %dma_start3A_12 : memref<1x80x128xi32, #tpu.memory_space<hbm>> -> memref<80x128xi32, #tpu.memory_space<hbm>>
    %dma_start3A_14 = arith.constant 0 : i32
    %dma_start3A_15 = arith.constant 0 : i32
    %dma_start3A_16 = tpu.memref_slice %arg3[%add3A, %dma_start3A_14, %dma_start3A_15] : memref<32x80x128xi32, #tpu.memory_space<hbm>> -> memref<1x80x128xi32, #tpu.memory_space<hbm>>
    %dma_start3A_17 = tpu.memref_squeeze %dma_start3A_16 : memref<1x80x128xi32, #tpu.memory_space<hbm>> -> memref<80x128xi32, #tpu.memory_space<hbm>>
    tpu.enqueue_dma source(%dma_start3A_17 : memref<80x128xi32, #tpu.memory_space<hbm>>) target(%arg6 : memref<80x128xi32, #tpu.memory_space<vmem>>) target_semaphore(%arg13 : memref<!tpu.dma_semaphore, #tpu.memory_space<semaphore_mem>>)
    %dma_start3A_18 = arith.constant 0 : i32
    %dma_start3A_19 = arith.constant 0 : i32
    %dma_start3A_20 = tpu.memref_slice %arg4[%add3A, %dma_start3A_18, %dma_start3A_19] : memref<32x80x128xi32, #tpu.memory_space<hbm>> -> memref<1x80x128xi32, #tpu.memory_space<hbm>>
    %dma_start3A_21 = tpu.memref_squeeze %dma_start3A_20 : memref<1x80x128xi32, #tpu.memory_space<hbm>> -> memref<80x128xi32, #tpu.memory_space<hbm>>
    %dma_start3A_22 = arith.constant 0 : i32
    %dma_start3A_23 = arith.constant 0 : i32
    %dma_start3A_24 = tpu.memref_slice %arg4[%add3A, %dma_start3A_22, %dma_start3A_23] : memref<32x80x128xi32, #tpu.memory_space<hbm>> -> memref<1x80x128xi32, #tpu.memory_space<hbm>>
    %dma_start3A_25 = tpu.memref_squeeze %dma_start3A_24 : memref<1x80x128xi32, #tpu.memory_space<hbm>> -> memref<80x128xi32, #tpu.memory_space<hbm>>
    tpu.enqueue_dma source(%dma_start3A_25 : memref<80x128xi32, #tpu.memory_space<hbm>>) target(%arg7 : memref<80x128xi32, #tpu.memory_space<vmem>>) target_semaphore(%arg13 : memref<!tpu.dma_semaphore, #tpu.memory_space<semaphore_mem>>)
    %dma_wait3A = arith.constant 0 : i32
    %dma_wait3A_26 = tpu.memref_slice %arg10[%mul3A_2, %dma_wait3A] : memref<10240x40xf32, #tpu.memory_space<vmem_shared>> -> memref<640x40xf32, #tpu.memory_space<vmem_shared>>
    %dma_wait3A_27 = arith.constant 0 : i32
    %dma_wait3A_28 = tpu.memref_slice %arg2[%mul3A_2, %dma_wait3A_27] : memref<10240x40xf32, #tpu.memory_space<hbm>> -> memref<640x40xf32, #tpu.memory_space<hbm>>
    tpu.wait_dma2 semaphore(%arg12 : memref<!tpu.dma_semaphore, #tpu.memory_space<semaphore_mem>>) src(%dma_wait3A_28 : memref<640x40xf32, #tpu.memory_space<hbm>>) dst(%dma_wait3A_26 : memref<640x40xf32, #tpu.memory_space<vmem_shared>>)
    %dma_wait3A_29 = arith.constant 0 : i32
    %dma_wait3A_30 = tpu.memref_slice %arg11[%mul3A_2, %dma_wait3A_29] : memref<10240x40xf32, #tpu.memory_space<vmem_shared>> -> memref<640x40xf32, #tpu.memory_space<vmem_shared>>
    %dma_wait3A_31 = arith.constant 0 : i32
    %dma_wait3A_32 = tpu.memref_slice %arg2[%mul3A_2, %dma_wait3A_31] : memref<10240x40xf32, #tpu.memory_space<hbm>> -> memref<640x40xf32, #tpu.memory_space<hbm>>
    tpu.wait_dma2 semaphore(%arg12 : memref<!tpu.dma_semaphore, #tpu.memory_space<semaphore_mem>>) src(%dma_wait3A_32 : memref<640x40xf32, #tpu.memory_space<hbm>>) dst(%dma_wait3A_30 : memref<640x40xf32, #tpu.memory_space<vmem_shared>>)
    %dma_wait3A_33 = arith.constant 0 : i32
    %dma_wait3A_34 = arith.constant 0 : i32
    %dma_wait3A_35 = tpu.memref_slice %arg3[%add3A, %dma_wait3A_33, %dma_wait3A_34] : memref<32x80x128xi32, #tpu.memory_space<hbm>> -> memref<1x80x128xi32, #tpu.memory_space<hbm>>
    %dma_wait3A_36 = tpu.memref_squeeze %dma_wait3A_35 : memref<1x80x128xi32, #tpu.memory_space<hbm>> -> memref<80x128xi32, #tpu.memory_space<hbm>>
    %dma_wait3A_37 = arith.constant 0 : i32
    %dma_wait3A_38 = arith.constant 0 : i32
    %dma_wait3A_39 = tpu.memref_slice %arg3[%add3A, %dma_wait3A_37, %dma_wait3A_38] : memref<32x80x128xi32, #tpu.memory_space<hbm>> -> memref<1x80x128xi32, #tpu.memory_space<hbm>>
    %dma_wait3A_40 = tpu.memref_squeeze %dma_wait3A_39 : memref<1x80x128xi32, #tpu.memory_space<hbm>> -> memref<80x128xi32, #tpu.memory_space<hbm>>
    tpu.wait_dma2 semaphore(%arg13 : memref<!tpu.dma_semaphore, #tpu.memory_space<semaphore_mem>>) src(%dma_wait3A_40 : memref<80x128xi32, #tpu.memory_space<hbm>>) dst(%arg6 : memref<80x128xi32, #tpu.memory_space<vmem>>)
    %dma_wait3A_41 = arith.constant 0 : i32
    %dma_wait3A_42 = arith.constant 0 : i32
    %dma_wait3A_43 = tpu.memref_slice %arg4[%add3A, %dma_wait3A_41, %dma_wait3A_42] : memref<32x80x128xi32, #tpu.memory_space<hbm>> -> memref<1x80x128xi32, #tpu.memory_space<hbm>>
    %dma_wait3A_44 = tpu.memref_squeeze %dma_wait3A_43 : memref<1x80x128xi32, #tpu.memory_space<hbm>> -> memref<80x128xi32, #tpu.memory_space<hbm>>
    %dma_wait3A_45 = arith.constant 0 : i32
    %dma_wait3A_46 = arith.constant 0 : i32
    %dma_wait3A_47 = tpu.memref_slice %arg4[%add3A, %dma_wait3A_45, %dma_wait3A_46] : memref<32x80x128xi32, #tpu.memory_space<hbm>> -> memref<1x80x128xi32, #tpu.memory_space<hbm>>
    %dma_wait3A_48 = tpu.memref_squeeze %dma_wait3A_47 : memref<1x80x128xi32, #tpu.memory_space<hbm>> -> memref<80x128xi32, #tpu.memory_space<hbm>>
    tpu.wait_dma2 semaphore(%arg13 : memref<!tpu.dma_semaphore, #tpu.memory_space<semaphore_mem>>) src(%dma_wait3A_48 : memref<80x128xi32, #tpu.memory_space<hbm>>) dst(%arg7 : memref<80x128xi32, #tpu.memory_space<vmem>>)
    %barrier3A = arith.constant 0 : index
    tpu.barrier barrier_id(%barrier3A)
    %dma_start3A_49 = arith.constant 0 : i32
    %dma_start3A_50 = arith.constant 0 : i32
    %dma_start3A_51 = tpu.memref_slice %arg6[%dma_start3A_49, %dma_start3A_50] : memref<80x128xi32, #tpu.memory_space<vmem>> -> memref<1x128xi32, #tpu.memory_space<vmem>>
    %dma_start3A_52 = tpu.memref_squeeze %dma_start3A_51 : memref<1x128xi32, #tpu.memory_space<vmem>> -> memref<128xi32, #tpu.memory_space<vmem>>
    %dma_start3A_53 = arith.constant 0 : i32
    %dma_start3A_54 = arith.constant 0 : i32
    %dma_start3A_55 = tpu.memref_slice %arg10[%dma_start3A_53, %dma_start3A_54] : memref<10240x40xf32, #tpu.memory_space<vmem_shared>> -> memref<10240x40xf32, #tpu.memory_space<vmem_shared>>
    tpu.enqueue_indirect_dma source(%dma_start3A_55 : memref<10240x40xf32, #tpu.memory_space<vmem_shared>>) target(%arg8 : memref<128x40xf32, #tpu.memory_space<vmem>>) offsets(%dma_start3A_52 : memref<128xi32, #tpu.memory_space<vmem>>) semaphore(%arg12 : memref<!tpu.dma_semaphore, #tpu.memory_space<semaphore_mem>>)
    %scan3A = arith.constant 0 : i32
    %scan3A_56 = arith.constant 0 : i32
    %scan3A_57 = arith.constant 39 : i32
    %scan3A_58 = arith.addi %scan3A_56, %scan3A_57 : i32
    %scan3A_59 = arith.constant 1 : i32
    %scan3A_60 = scf.for %scan3A_86 = %scan3A_56 to %scan3A_58 step %scan3A_59 iter_args(%scan3A_87 = %scan3A) -> (i32)  : i32 {
      %mul3A_88 = arith.constant 2 : i32
      %mul3A_89 = arith.muli %mul3A_88, %scan3A_86 : i32
      %add3A_90 = arith.constant 1 : i32
      %add3A_91 = arith.addi %mul3A_89, %add3A_90 : i32
      %dma_start3A_92 = arith.constant 0 : i32
      %dma_start3A_93 = tpu.memref_slice %arg6[%add3A_91, %dma_start3A_92] : memref<80x128xi32, #tpu.memory_space<vmem>> -> memref<1x128xi32, #tpu.memory_space<vmem>>
      %dma_start3A_94 = tpu.memref_squeeze %dma_start3A_93 : memref<1x128xi32, #tpu.memory_space<vmem>> -> memref<128xi32, #tpu.memory_space<vmem>>
      %dma_start3A_95 = arith.constant 0 : i32
      %dma_start3A_96 = arith.constant 0 : i32
      %dma_start3A_97 = tpu.memref_slice %arg10[%dma_start3A_95, %dma_start3A_96] : memref<10240x40xf32, #tpu.memory_space<vmem_shared>> -> memref<10240x40xf32, #tpu.memory_space<vmem_shared>>
      tpu.enqueue_indirect_dma source(%dma_start3A_97 : memref<10240x40xf32, #tpu.memory_space<vmem_shared>>) target(%arg9 : memref<128x40xf32, #tpu.memory_space<vmem>>) offsets(%dma_start3A_94 : memref<128xi32, #tpu.memory_space<vmem>>) semaphore(%arg13 : memref<!tpu.dma_semaphore, #tpu.memory_space<semaphore_mem>>)
      %dma_wait3A_98 = arith.constant 0 : i32
      %dma_wait3A_99 = arith.constant 0 : i32
      %dma_wait3A_100 = tpu.memref_slice %arg2[%dma_wait3A_98, %dma_wait3A_99] : memref<10240x40xf32, #tpu.memory_space<hbm>> -> memref<128x40xf32, #tpu.memory_space<hbm>>
      %dma_wait3A_101 = arith.constant 0 : i32
      %dma_wait3A_102 = arith.constant 0 : i32
      %dma_wait3A_103 = tpu.memref_slice %arg2[%dma_wait3A_101, %dma_wait3A_102] : memref<10240x40xf32, #tpu.memory_space<hbm>> -> memref<128x40xf32, #tpu.memory_space<hbm>>
      tpu.wait_dma2 semaphore(%arg12 : memref<!tpu.dma_semaphore, #tpu.memory_space<semaphore_mem>>) src(%dma_wait3A_103 : memref<128x40xf32, #tpu.memory_space<hbm>>) dst(%arg8 : memref<128x40xf32, #tpu.memory_space<vmem>>)
      "tpu.region"() ({
        %run_scoped3A_121 = tpu.sem_alloc : memref<!tpu.dma_semaphore, #tpu.memory_space<semaphore_mem>>
        %dma_start3A_122 = arith.constant 0 : i32
        %dma_start3A_123 = tpu.memref_slice %arg7[%mul3A_89, %dma_start3A_122] : memref<80x128xi32, #tpu.memory_space<vmem>> -> memref<1x128xi32, #tpu.memory_space<vmem>>
        %dma_start3A_124 = tpu.memref_squeeze %dma_start3A_123 : memref<1x128xi32, #tpu.memory_space<vmem>> -> memref<128xi32, #tpu.memory_space<vmem>>
        %dma_start3A_125 = arith.constant 0 : i32
        %dma_start3A_126 = arith.constant 0 : i32
        %dma_start3A_127 = tpu.memref_slice %arg11[%dma_start3A_125, %dma_start3A_126] : memref<10240x40xf32, #tpu.memory_space<vmem_shared>> -> memref<10240x40xf32, #tpu.memory_space<vmem_shared>>
        tpu.enqueue_indirect_dma source(%arg8 : memref<128x40xf32, #tpu.memory_space<vmem>>) target(%dma_start3A_127 : memref<10240x40xf32, #tpu.memory_space<vmem_shared>>) offsets(%dma_start3A_124 : memref<128xi32, #tpu.memory_space<vmem>>) semaphore(%run_scoped3A_121 : memref<!tpu.dma_semaphore, #tpu.memory_space<semaphore_mem>>) {add = true}
        %dma_wait3A_128 = arith.constant 0 : i32
        %dma_wait3A_129 = tpu.memref_slice %arg7[%mul3A_89, %dma_wait3A_128] : memref<80x128xi32, #tpu.memory_space<vmem>> -> memref<1x128xi32, #tpu.memory_space<vmem>>
        %dma_wait3A_130 = tpu.memref_squeeze %dma_wait3A_129 : memref<1x128xi32, #tpu.memory_space<vmem>> -> memref<128xi32, #tpu.memory_space<vmem>>
        %dma_wait3A_131 = arith.constant 0 : i32
        %dma_wait3A_132 = arith.constant 0 : i32
        %dma_wait3A_133 = tpu.memref_slice %arg11[%dma_wait3A_131, %dma_wait3A_132] : memref<10240x40xf32, #tpu.memory_space<vmem_shared>> -> memref<10240x40xf32, #tpu.memory_space<vmem_shared>>
        tpu.wait_indirect_dma semaphore(%run_scoped3A_121 : memref<!tpu.dma_semaphore, #tpu.memory_space<semaphore_mem>>) src(%arg8 : memref<128x40xf32, #tpu.memory_space<vmem>>) dst(%dma_wait3A_133 : memref<10240x40xf32, #tpu.memory_space<vmem_shared>>)
        tpu.yield
      }) : () -> ()
      %add3A_104 = arith.constant 2 : i32
      %add3A_105 = arith.addi %mul3A_89, %add3A_104 : i32
      %dma_start3A_106 = arith.constant 0 : i32
      %dma_start3A_107 = tpu.memref_slice %arg6[%add3A_105, %dma_start3A_106] : memref<80x128xi32, #tpu.memory_space<vmem>> -> memref<1x128xi32, #tpu.memory_space<vmem>>
      %dma_start3A_108 = tpu.memref_squeeze %dma_start3A_107 : memref<1x128xi32, #tpu.memory_space<vmem>> -> memref<128xi32, #tpu.memory_space<vmem>>
      %dma_start3A_109 = arith.constant 0 : i32
      %dma_start3A_110 = arith.constant 0 : i32
      %dma_start3A_111 = tpu.memref_slice %arg10[%dma_start3A_109, %dma_start3A_110] : memref<10240x40xf32, #tpu.memory_space<vmem_shared>> -> memref<10240x40xf32, #tpu.memory_space<vmem_shared>>
      tpu.enqueue_indirect_dma source(%dma_start3A_111 : memref<10240x40xf32, #tpu.memory_space<vmem_shared>>) target(%arg8 : memref<128x40xf32, #tpu.memory_space<vmem>>) offsets(%dma_start3A_108 : memref<128xi32, #tpu.memory_space<vmem>>) semaphore(%arg12 : memref<!tpu.dma_semaphore, #tpu.memory_space<semaphore_mem>>)
      %dma_wait3A_112 = arith.constant 0 : i32
      %dma_wait3A_113 = arith.constant 0 : i32
      %dma_wait3A_114 = tpu.memref_slice %arg2[%dma_wait3A_112, %dma_wait3A_113] : memref<10240x40xf32, #tpu.memory_space<hbm>> -> memref<128x40xf32, #tpu.memory_space<hbm>>
      %dma_wait3A_115 = arith.constant 0 : i32
      %dma_wait3A_116 = arith.constant 0 : i32
      %dma_wait3A_117 = tpu.memref_slice %arg2[%dma_wait3A_115, %dma_wait3A_116] : memref<10240x40xf32, #tpu.memory_space<hbm>> -> memref<128x40xf32, #tpu.memory_space<hbm>>
      tpu.wait_dma2 semaphore(%arg13 : memref<!tpu.dma_semaphore, #tpu.memory_space<semaphore_mem>>) src(%dma_wait3A_117 : memref<128x40xf32, #tpu.memory_space<hbm>>) dst(%arg9 : memref<128x40xf32, #tpu.memory_space<vmem>>)
      %add3A_118 = arith.constant 1 : i32
      %add3A_119 = arith.addi %mul3A_89, %add3A_118 : i32
      "tpu.region"() ({
        %run_scoped3A_121 = tpu.sem_alloc : memref<!tpu.dma_semaphore, #tpu.memory_space<semaphore_mem>>
        %dma_start3A_122 = arith.constant 0 : i32
        %dma_start3A_123 = tpu.memref_slice %arg7[%add3A_119, %dma_start3A_122] : memref<80x128xi32, #tpu.memory_space<vmem>> -> memref<1x128xi32, #tpu.memory_space<vmem>>
        %dma_start3A_124 = tpu.memref_squeeze %dma_start3A_123 : memref<1x128xi32, #tpu.memory_space<vmem>> -> memref<128xi32, #tpu.memory_space<vmem>>
        %dma_start3A_125 = arith.constant 0 : i32
        %dma_start3A_126 = arith.constant 0 : i32
        %dma_start3A_127 = tpu.memref_slice %arg11[%dma_start3A_125, %dma_start3A_126] : memref<10240x40xf32, #tpu.memory_space<vmem_shared>> -> memref<10240x40xf32, #tpu.memory_space<vmem_shared>>
        tpu.enqueue_indirect_dma source(%arg9 : memref<128x40xf32, #tpu.memory_space<vmem>>) target(%dma_start3A_127 : memref<10240x40xf32, #tpu.memory_space<vmem_shared>>) offsets(%dma_start3A_124 : memref<128xi32, #tpu.memory_space<vmem>>) semaphore(%run_scoped3A_121 : memref<!tpu.dma_semaphore, #tpu.memory_space<semaphore_mem>>) {add = true}
        %dma_wait3A_128 = arith.constant 0 : i32
        %dma_wait3A_129 = tpu.memref_slice %arg7[%add3A_119, %dma_wait3A_128] : memref<80x128xi32, #tpu.memory_space<vmem>> -> memref<1x128xi32, #tpu.memory_space<vmem>>
        %dma_wait3A_130 = tpu.memref_squeeze %dma_wait3A_129 : memref<1x128xi32, #tpu.memory_space<vmem>> -> memref<128xi32, #tpu.memory_space<vmem>>
        %dma_wait3A_131 = arith.constant 0 : i32
        %dma_wait3A_132 = arith.constant 0 : i32
        %dma_wait3A_133 = tpu.memref_slice %arg11[%dma_wait3A_131, %dma_wait3A_132] : memref<10240x40xf32, #tpu.memory_space<vmem_shared>> -> memref<10240x40xf32, #tpu.memory_space<vmem_shared>>
        tpu.wait_indirect_dma semaphore(%run_scoped3A_121 : memref<!tpu.dma_semaphore, #tpu.memory_space<semaphore_mem>>) src(%arg9 : memref<128x40xf32, #tpu.memory_space<vmem>>) dst(%dma_wait3A_133 : memref<10240x40xf32, #tpu.memory_space<vmem_shared>>)
        tpu.yield
      }) : () -> ()
      %scan3A_120 = arith.constant 0 : i32
      scf.yield %scan3A_120 : i32
    }
    %scan3A_61 = arith.constant 39 : i32
    %dma_start3A_62 = arith.constant 79 : i32
    %dma_start3A_63 = arith.constant 0 : i32
    %dma_start3A_64 = tpu.memref_slice %arg6[%dma_start3A_62, %dma_start3A_63] : memref<80x128xi32, #tpu.memory_space<vmem>> -> memref<1x128xi32, #tpu.memory_space<vmem>>
    %dma_start3A_65 = tpu.memref_squeeze %dma_start3A_64 : memref<1x128xi32, #tpu.memory_space<vmem>> -> memref<128xi32, #tpu.memory_space<vmem>>
    %dma_start3A_66 = arith.constant 0 : i32
    %dma_start3A_67 = arith.constant 0 : i32
    %dma_start3A_68 = tpu.memref_slice %arg10[%dma_start3A_66, %dma_start3A_67] : memref<10240x40xf32, #tpu.memory_space<vmem_shared>> -> memref<10240x40xf32, #tpu.memory_space<vmem_shared>>
    tpu.enqueue_indirect_dma source(%dma_start3A_68 : memref<10240x40xf32, #tpu.memory_space<vmem_shared>>) target(%arg9 : memref<128x40xf32, #tpu.memory_space<vmem>>) offsets(%dma_start3A_65 : memref<128xi32, #tpu.memory_space<vmem>>) semaphore(%arg13 : memref<!tpu.dma_semaphore, #tpu.memory_space<semaphore_mem>>)
    %dma_wait3A_69 = arith.constant 0 : i32
    %dma_wait3A_70 = arith.constant 0 : i32
    %dma_wait3A_71 = tpu.memref_slice %arg2[%dma_wait3A_69, %dma_wait3A_70] : memref<10240x40xf32, #tpu.memory_space<hbm>> -> memref<128x40xf32, #tpu.memory_space<hbm>>
    %dma_wait3A_72 = arith.constant 0 : i32
    %dma_wait3A_73 = arith.constant 0 : i32
    %dma_wait3A_74 = tpu.memref_slice %arg2[%dma_wait3A_72, %dma_wait3A_73] : memref<10240x40xf32, #tpu.memory_space<hbm>> -> memref<128x40xf32, #tpu.memory_space<hbm>>
    tpu.wait_dma2 semaphore(%arg12 : memref<!tpu.dma_semaphore, #tpu.memory_space<semaphore_mem>>) src(%dma_wait3A_74 : memref<128x40xf32, #tpu.memory_space<hbm>>) dst(%arg8 : memref<128x40xf32, #tpu.memory_space<vmem>>)
    %run_scoped3A = arith.constant 78 : i32
    "tpu.region"() ({
      %run_scoped3A_86 = tpu.sem_alloc : memref<!tpu.dma_semaphore, #tpu.memory_space<semaphore_mem>>
      %dma_start3A_87 = arith.constant 0 : i32
      %dma_start3A_88 = tpu.memref_slice %arg7[%run_scoped3A, %dma_start3A_87] : memref<80x128xi32, #tpu.memory_space<vmem>> -> memref<1x128xi32, #tpu.memory_space<vmem>>
      %dma_start3A_89 = tpu.memref_squeeze %dma_start3A_88 : memref<1x128xi32, #tpu.memory_space<vmem>> -> memref<128xi32, #tpu.memory_space<vmem>>
      %dma_start3A_90 = arith.constant 0 : i32
      %dma_start3A_91 = arith.constant 0 : i32
      %dma_start3A_92 = tpu.memref_slice %arg11[%dma_start3A_90, %dma_start3A_91] : memref<10240x40xf32, #tpu.memory_space<vmem_shared>> -> memref<10240x40xf32, #tpu.memory_space<vmem_shared>>
      tpu.enqueue_indirect_dma source(%arg8 : memref<128x40xf32, #tpu.memory_space<vmem>>) target(%dma_start3A_92 : memref<10240x40xf32, #tpu.memory_space<vmem_shared>>) offsets(%dma_start3A_89 : memref<128xi32, #tpu.memory_space<vmem>>) semaphore(%run_scoped3A_86 : memref<!tpu.dma_semaphore, #tpu.memory_space<semaphore_mem>>) {add = true}
      %dma_wait3A_93 = arith.constant 0 : i32
      %dma_wait3A_94 = tpu.memref_slice %arg7[%run_scoped3A, %dma_wait3A_93] : memref<80x128xi32, #tpu.memory_space<vmem>> -> memref<1x128xi32, #tpu.memory_space<vmem>>
      %dma_wait3A_95 = tpu.memref_squeeze %dma_wait3A_94 : memref<1x128xi32, #tpu.memory_space<vmem>> -> memref<128xi32, #tpu.memory_space<vmem>>
      %dma_wait3A_96 = arith.constant 0 : i32
      %dma_wait3A_97 = arith.constant 0 : i32
      %dma_wait3A_98 = tpu.memref_slice %arg11[%dma_wait3A_96, %dma_wait3A_97] : memref<10240x40xf32, #tpu.memory_space<vmem_shared>> -> memref<10240x40xf32, #tpu.memory_space<vmem_shared>>
      tpu.wait_indirect_dma semaphore(%run_scoped3A_86 : memref<!tpu.dma_semaphore, #tpu.memory_space<semaphore_mem>>) src(%arg8 : memref<128x40xf32, #tpu.memory_space<vmem>>) dst(%dma_wait3A_98 : memref<10240x40xf32, #tpu.memory_space<vmem_shared>>)
      tpu.yield
    }) : () -> ()
    %dma_wait3A_75 = arith.constant 0 : i32
    %dma_wait3A_76 = arith.constant 0 : i32
    %dma_wait3A_77 = tpu.memref_slice %arg2[%dma_wait3A_75, %dma_wait3A_76] : memref<10240x40xf32, #tpu.memory_space<hbm>> -> memref<128x40xf32, #tpu.memory_space<hbm>>
    %dma_wait3A_78 = arith.constant 0 : i32
    %dma_wait3A_79 = arith.constant 0 : i32
    %dma_wait3A_80 = tpu.memref_slice %arg2[%dma_wait3A_78, %dma_wait3A_79] : memref<10240x40xf32, #tpu.memory_space<hbm>> -> memref<128x40xf32, #tpu.memory_space<hbm>>
    tpu.wait_dma2 semaphore(%arg13 : memref<!tpu.dma_semaphore, #tpu.memory_space<semaphore_mem>>) src(%dma_wait3A_80 : memref<128x40xf32, #tpu.memory_space<hbm>>) dst(%arg9 : memref<128x40xf32, #tpu.memory_space<vmem>>)
    %run_scoped3A_81 = arith.constant 79 : i32
    "tpu.region"() ({
      %run_scoped3A_86 = tpu.sem_alloc : memref<!tpu.dma_semaphore, #tpu.memory_space<semaphore_mem>>
      %dma_start3A_87 = arith.constant 0 : i32
      %dma_start3A_88 = tpu.memref_slice %arg7[%run_scoped3A_81, %dma_start3A_87] : memref<80x128xi32, #tpu.memory_space<vmem>> -> memref<1x128xi32, #tpu.memory_space<vmem>>
      %dma_start3A_89 = tpu.memref_squeeze %dma_start3A_88 : memref<1x128xi32, #tpu.memory_space<vmem>> -> memref<128xi32, #tpu.memory_space<vmem>>
      %dma_start3A_90 = arith.constant 0 : i32
      %dma_start3A_91 = arith.constant 0 : i32
      %dma_start3A_92 = tpu.memref_slice %arg11[%dma_start3A_90, %dma_start3A_91] : memref<10240x40xf32, #tpu.memory_space<vmem_shared>> -> memref<10240x40xf32, #tpu.memory_space<vmem_shared>>
      tpu.enqueue_indirect_dma source(%arg9 : memref<128x40xf32, #tpu.memory_space<vmem>>) target(%dma_start3A_92 : memref<10240x40xf32, #tpu.memory_space<vmem_shared>>) offsets(%dma_start3A_89 : memref<128xi32, #tpu.memory_space<vmem>>) semaphore(%run_scoped3A_86 : memref<!tpu.dma_semaphore, #tpu.memory_space<semaphore_mem>>) {add = true}
      %dma_wait3A_93 = arith.constant 0 : i32
      %dma_wait3A_94 = tpu.memref_slice %arg7[%run_scoped3A_81, %dma_wait3A_93] : memref<80x128xi32, #tpu.memory_space<vmem>> -> memref<1x128xi32, #tpu.memory_space<vmem>>
      %dma_wait3A_95 = tpu.memref_squeeze %dma_wait3A_94 : memref<1x128xi32, #tpu.memory_space<vmem>> -> memref<128xi32, #tpu.memory_space<vmem>>
      %dma_wait3A_96 = arith.constant 0 : i32
      %dma_wait3A_97 = arith.constant 0 : i32
      %dma_wait3A_98 = tpu.memref_slice %arg11[%dma_wait3A_96, %dma_wait3A_97] : memref<10240x40xf32, #tpu.memory_space<vmem_shared>> -> memref<10240x40xf32, #tpu.memory_space<vmem_shared>>
      tpu.wait_indirect_dma semaphore(%run_scoped3A_86 : memref<!tpu.dma_semaphore, #tpu.memory_space<semaphore_mem>>) src(%arg9 : memref<128x40xf32, #tpu.memory_space<vmem>>) dst(%dma_wait3A_98 : memref<10240x40xf32, #tpu.memory_space<vmem_shared>>)
      tpu.yield
    }) : () -> ()
    %barrier3A_82 = arith.constant 0 : index
    tpu.barrier barrier_id(%barrier3A_82)
    %mul3A_83 = arith.constant 10240 : i32
    %mul3A_84 = arith.muli %arg0, %mul3A_83 : i32
    %add3A_85 = arith.addi %mul3A_84, %mul3A_2 : i32
    "tpu.region"() ({
      %run_scoped3A_86 = tpu.sem_alloc : memref<!tpu.dma_semaphore, #tpu.memory_space<semaphore_mem>>
      %dma_start3A_87 = arith.constant 0 : i32
      %dma_start3A_88 = tpu.memref_slice %arg5[%add3A_85, %dma_start3A_87] : memref<20480x40xf32, #tpu.memory_space<hbm>> -> memref<640x40xf32, #tpu.memory_space<hbm>>
      %dma_start3A_89 = arith.constant 0 : i32
      %dma_start3A_90 = tpu.memref_slice %arg11[%mul3A_2, %dma_start3A_89] : memref<10240x40xf32, #tpu.memory_space<vmem_shared>> -> memref<640x40xf32, #tpu.memory_space<vmem_shared>>
      tpu.enqueue_dma source(%dma_start3A_90 : memref<640x40xf32, #tpu.memory_space<vmem_shared>>) target(%dma_start3A_88 : memref<640x40xf32, #tpu.memory_space<hbm>>) target_semaphore(%run_scoped3A_86 : memref<!tpu.dma_semaphore, #tpu.memory_space<semaphore_mem>>)
      %dma_wait3A_91 = arith.constant 0 : i32
      %dma_wait3A_92 = tpu.memref_slice %arg5[%add3A_85, %dma_wait3A_91] : memref<20480x40xf32, #tpu.memory_space<hbm>> -> memref<640x40xf32, #tpu.memory_space<hbm>>
      %dma_wait3A_93 = arith.constant 0 : i32
      %dma_wait3A_94 = tpu.memref_slice %arg11[%mul3A_2, %dma_wait3A_93] : memref<10240x40xf32, #tpu.memory_space<vmem_shared>> -> memref<640x40xf32, #tpu.memory_space<vmem_shared>>
      tpu.wait_dma2 semaphore(%run_scoped3A_86 : memref<!tpu.dma_semaphore, #tpu.memory_space<semaphore_mem>>) src(%dma_wait3A_94 : memref<640x40xf32, #tpu.memory_space<vmem_shared>>) dst(%dma_wait3A_92 : memref<640x40xf32, #tpu.memory_space<hbm>>)
      tpu.yield
    }) : () -> ()
    return
  }
}

#map = affine_map<(d0, d1) -> (0, 0, 0)>
#map1 = affine_map<(d0, d1) -> (0)>
#map2 = affine_map<(d0, d1) -> (0, 0)>
module attributes {stable_mosaic.version = 14 : i64} {
  func.func @deg_kernel(%arg0: i32, %arg1: i32, %arg2: memref<32x80x128xi32, #tpu.memory_space<hbm>>, %arg3: memref<10240xf32, #tpu.memory_space<hbm>>, %arg4: memref<32x10240xf32, #tpu.memory_space<hbm>>, %arg5: memref<80x128xi32, #tpu.memory_space<vmem>>, %arg6: memref<10240xf32, #tpu.memory_space<vmem>>) attributes {dimension_semantics = [#tpu.dimension_semantics<core_parallel>, #tpu.dimension_semantics<subcore_parallel>], iteration_bounds = array<i64: 2, 16>, scalar_prefetch = 0 : i64, scratch_operands = 2 : i64, tpu.core_type = #tpu.core_type<sc_vector_subcore>, window_params = [{transform_indices = #map}, {transform_indices = #map1}, {transform_indices = #map2}]} {
    %mul3A = arith.constant 16 : i32
    %mul3A_0 = arith.muli %arg0, %mul3A : i32
    %add3A = arith.addi %mul3A_0, %arg1 : i32
    "tpu.region"() ({
      %run_scoped3A = tpu.sem_alloc : memref<!tpu.dma_semaphore, #tpu.memory_space<semaphore_mem>>
      tpu.enqueue_dma source(%arg3 : memref<10240xf32, #tpu.memory_space<hbm>>) target(%arg6 : memref<10240xf32, #tpu.memory_space<vmem>>) target_semaphore(%run_scoped3A : memref<!tpu.dma_semaphore, #tpu.memory_space<semaphore_mem>>)
      tpu.wait_dma2 semaphore(%run_scoped3A : memref<!tpu.dma_semaphore, #tpu.memory_space<semaphore_mem>>) src(%arg3 : memref<10240xf32, #tpu.memory_space<hbm>>) dst(%arg6 : memref<10240xf32, #tpu.memory_space<vmem>>)
      tpu.yield
    }) : () -> ()
    "tpu.region"() ({
      %run_scoped3A = tpu.sem_alloc : memref<!tpu.dma_semaphore, #tpu.memory_space<semaphore_mem>>
      %dma_start3A = arith.constant 0 : i32
      %dma_start3A_8 = arith.constant 0 : i32
      %dma_start3A_9 = tpu.memref_slice %arg2[%add3A, %dma_start3A, %dma_start3A_8] : memref<32x80x128xi32, #tpu.memory_space<hbm>> -> memref<1x80x128xi32, #tpu.memory_space<hbm>>
      %dma_start3A_10 = tpu.memref_squeeze %dma_start3A_9 : memref<1x80x128xi32, #tpu.memory_space<hbm>> -> memref<80x128xi32, #tpu.memory_space<hbm>>
      %dma_start3A_11 = arith.constant 0 : i32
      %dma_start3A_12 = arith.constant 0 : i32
      %dma_start3A_13 = tpu.memref_slice %arg2[%add3A, %dma_start3A_11, %dma_start3A_12] : memref<32x80x128xi32, #tpu.memory_space<hbm>> -> memref<1x80x128xi32, #tpu.memory_space<hbm>>
      %dma_start3A_14 = tpu.memref_squeeze %dma_start3A_13 : memref<1x80x128xi32, #tpu.memory_space<hbm>> -> memref<80x128xi32, #tpu.memory_space<hbm>>
      tpu.enqueue_dma source(%dma_start3A_14 : memref<80x128xi32, #tpu.memory_space<hbm>>) target(%arg5 : memref<80x128xi32, #tpu.memory_space<vmem>>) target_semaphore(%run_scoped3A : memref<!tpu.dma_semaphore, #tpu.memory_space<semaphore_mem>>)
      %dma_wait3A = arith.constant 0 : i32
      %dma_wait3A_15 = arith.constant 0 : i32
      %dma_wait3A_16 = tpu.memref_slice %arg2[%add3A, %dma_wait3A, %dma_wait3A_15] : memref<32x80x128xi32, #tpu.memory_space<hbm>> -> memref<1x80x128xi32, #tpu.memory_space<hbm>>
      %dma_wait3A_17 = tpu.memref_squeeze %dma_wait3A_16 : memref<1x80x128xi32, #tpu.memory_space<hbm>> -> memref<80x128xi32, #tpu.memory_space<hbm>>
      %dma_wait3A_18 = arith.constant 0 : i32
      %dma_wait3A_19 = arith.constant 0 : i32
      %dma_wait3A_20 = tpu.memref_slice %arg2[%add3A, %dma_wait3A_18, %dma_wait3A_19] : memref<32x80x128xi32, #tpu.memory_space<hbm>> -> memref<1x80x128xi32, #tpu.memory_space<hbm>>
      %dma_wait3A_21 = tpu.memref_squeeze %dma_wait3A_20 : memref<1x80x128xi32, #tpu.memory_space<hbm>> -> memref<80x128xi32, #tpu.memory_space<hbm>>
      tpu.wait_dma2 semaphore(%run_scoped3A : memref<!tpu.dma_semaphore, #tpu.memory_space<semaphore_mem>>) src(%dma_wait3A_21 : memref<80x128xi32, #tpu.memory_space<hbm>>) dst(%arg5 : memref<80x128xi32, #tpu.memory_space<vmem>>)
      tpu.yield
    }) : () -> ()
    %broadcast_in_dim3A = arith.constant 1.000000e+00 : f32
    %broadcast_in_dim3A_1 = vector.broadcast %broadcast_in_dim3A : f32 to vector<16xf32>
    %scan3A = arith.constant 0 : i32
    %scan3A_2 = arith.constant 0 : i32
    %scan3A_3 = arith.constant 80 : i32
    %scan3A_4 = arith.addi %scan3A_2, %scan3A_3 : i32
    %scan3A_5 = arith.constant 1 : i32
    %scan3A_6 = scf.for %scan3A_8 = %scan3A_2 to %scan3A_4 step %scan3A_5 iter_args(%scan3A_9 = %scan3A) -> (i32)  : i32 {
      %get3A = arith.index_cast %scan3A_8 : i32 to index
      %get3A_10 = arith.constant 0 : index
      %get3A_11 = tpu.vector_load %arg5[%get3A, %get3A_10] {strides = array<i32>} : memref<80x128xi32, #tpu.memory_space<vmem>>, vector<16xi32>,
      tpu.vector_store_idx %arg6[%get3A_11], %broadcast_in_dim3A_1 {add = true} : memref<10240xf32, #tpu.memory_space<vmem>>[vector<16xi32>], vector<16xf32>,
      %get3A_12 = arith.index_cast %scan3A_8 : i32 to index
      %get3A_13 = arith.constant 16 : index
      %get3A_14 = tpu.vector_load %arg5[%get3A_12, %get3A_13] {strides = array<i32>} : memref<80x128xi32, #tpu.memory_space<vmem>>, vector<16xi32>,
      tpu.vector_store_idx %arg6[%get3A_14], %broadcast_in_dim3A_1 {add = true} : memref<10240xf32, #tpu.memory_space<vmem>>[vector<16xi32>], vector<16xf32>,
      %get3A_15 = arith.index_cast %scan3A_8 : i32 to index
      %get3A_16 = arith.constant 32 : index
      %get3A_17 = tpu.vector_load %arg5[%get3A_15, %get3A_16] {strides = array<i32>} : memref<80x128xi32, #tpu.memory_space<vmem>>, vector<16xi32>,
      tpu.vector_store_idx %arg6[%get3A_17], %broadcast_in_dim3A_1 {add = true} : memref<10240xf32, #tpu.memory_space<vmem>>[vector<16xi32>], vector<16xf32>,
      %get3A_18 = arith.index_cast %scan3A_8 : i32 to index
      %get3A_19 = arith.constant 48 : index
      %get3A_20 = tpu.vector_load %arg5[%get3A_18, %get3A_19] {strides = array<i32>} : memref<80x128xi32, #tpu.memory_space<vmem>>, vector<16xi32>,
      tpu.vector_store_idx %arg6[%get3A_20], %broadcast_in_dim3A_1 {add = true} : memref<10240xf32, #tpu.memory_space<vmem>>[vector<16xi32>], vector<16xf32>,
      %get3A_21 = arith.index_cast %scan3A_8 : i32 to index
      %get3A_22 = arith.constant 64 : index
      %get3A_23 = tpu.vector_load %arg5[%get3A_21, %get3A_22] {strides = array<i32>} : memref<80x128xi32, #tpu.memory_space<vmem>>, vector<16xi32>,
      tpu.vector_store_idx %arg6[%get3A_23], %broadcast_in_dim3A_1 {add = true} : memref<10240xf32, #tpu.memory_space<vmem>>[vector<16xi32>], vector<16xf32>,
      %get3A_24 = arith.index_cast %scan3A_8 : i32 to index
      %get3A_25 = arith.constant 80 : index
      %get3A_26 = tpu.vector_load %arg5[%get3A_24, %get3A_25] {strides = array<i32>} : memref<80x128xi32, #tpu.memory_space<vmem>>, vector<16xi32>,
      tpu.vector_store_idx %arg6[%get3A_26], %broadcast_in_dim3A_1 {add = true} : memref<10240xf32, #tpu.memory_space<vmem>>[vector<16xi32>], vector<16xf32>,
      %get3A_27 = arith.index_cast %scan3A_8 : i32 to index
      %get3A_28 = arith.constant 96 : index
      %get3A_29 = tpu.vector_load %arg5[%get3A_27, %get3A_28] {strides = array<i32>} : memref<80x128xi32, #tpu.memory_space<vmem>>, vector<16xi32>,
      tpu.vector_store_idx %arg6[%get3A_29], %broadcast_in_dim3A_1 {add = true} : memref<10240xf32, #tpu.memory_space<vmem>>[vector<16xi32>], vector<16xf32>,
      %get3A_30 = arith.index_cast %scan3A_8 : i32 to index
      %get3A_31 = arith.constant 112 : index
      %get3A_32 = tpu.vector_load %arg5[%get3A_30, %get3A_31] {strides = array<i32>} : memref<80x128xi32, #tpu.memory_space<vmem>>, vector<16xi32>,
      tpu.vector_store_idx %arg6[%get3A_32], %broadcast_in_dim3A_1 {add = true} : memref<10240xf32, #tpu.memory_space<vmem>>[vector<16xi32>], vector<16xf32>,
      %scan3A_33 = arith.constant 0 : i32
      scf.yield %scan3A_33 : i32
    }
    %scan3A_7 = arith.constant 80 : i32
    "tpu.region"() ({
      %run_scoped3A = tpu.sem_alloc : memref<!tpu.dma_semaphore, #tpu.memory_space<semaphore_mem>>
      %dma_start3A = arith.constant 0 : i32
      %dma_start3A_8 = tpu.memref_slice %arg4[%add3A, %dma_start3A] : memref<32x10240xf32, #tpu.memory_space<hbm>> -> memref<1x10240xf32, #tpu.memory_space<hbm>>
      %dma_start3A_9 = tpu.memref_squeeze %dma_start3A_8 : memref<1x10240xf32, #tpu.memory_space<hbm>> -> memref<10240xf32, #tpu.memory_space<hbm>>
      %dma_start3A_10 = arith.constant 0 : i32
      %dma_start3A_11 = tpu.memref_slice %arg4[%add3A, %dma_start3A_10] : memref<32x10240xf32, #tpu.memory_space<hbm>> -> memref<1x10240xf32, #tpu.memory_space<hbm>>
      %dma_start3A_12 = tpu.memref_squeeze %dma_start3A_11 : memref<1x10240xf32, #tpu.memory_space<hbm>> -> memref<10240xf32, #tpu.memory_space<hbm>>
      tpu.enqueue_dma source(%arg6 : memref<10240xf32, #tpu.memory_space<vmem>>) target(%dma_start3A_12 : memref<10240xf32, #tpu.memory_space<hbm>>) target_semaphore(%run_scoped3A : memref<!tpu.dma_semaphore, #tpu.memory_space<semaphore_mem>>)
      %dma_wait3A = arith.constant 0 : i32
      %dma_wait3A_13 = tpu.memref_slice %arg4[%add3A, %dma_wait3A] : memref<32x10240xf32, #tpu.memory_space<hbm>> -> memref<1x10240xf32, #tpu.memory_space<hbm>>
      %dma_wait3A_14 = tpu.memref_squeeze %dma_wait3A_13 : memref<1x10240xf32, #tpu.memory_space<hbm>> -> memref<10240xf32, #tpu.memory_space<hbm>>
      %dma_wait3A_15 = arith.constant 0 : i32
      %dma_wait3A_16 = tpu.memref_slice %arg4[%add3A, %dma_wait3A_15] : memref<32x10240xf32, #tpu.memory_space<hbm>> -> memref<1x10240xf32, #tpu.memory_space<hbm>>
      %dma_wait3A_17 = tpu.memref_squeeze %dma_wait3A_16 : memref<1x10240xf32, #tpu.memory_space<hbm>> -> memref<10240xf32, #tpu.memory_space<hbm>>
      tpu.wait_dma2 semaphore(%run_scoped3A : memref<!tpu.dma_semaphore, #tpu.memory_space<semaphore_mem>>) src(%arg6 : memref<10240xf32, #tpu.memory_space<vmem>>) dst(%dma_wait3A_17 : memref<10240xf32, #tpu.memory_space<hbm>>)
      tpu.yield
    }) : () -> ()
    return
  }
}

#map = affine_map<(d0, d1) -> (0, 0)>
#map1 = affine_map<(d0, d1) -> (0, 0, 0)>
module attributes {stable_mosaic.version = 14 : i64} {
  func.func @hop_kernel(%arg0: i32, %arg1: i32, %arg2: memref<10240x40xf32, #tpu.memory_space<hbm>>, %arg3: memref<32x80x128xi32, #tpu.memory_space<hbm>>, %arg4: memref<32x80x128xi32, #tpu.memory_space<hbm>>, %arg5: memref<20480x40xf32, #tpu.memory_space<hbm>>, %arg6: memref<80x128xi32, #tpu.memory_space<vmem>>, %arg7: memref<80x128xi32, #tpu.memory_space<vmem>>, %arg8: memref<128x40xf32, #tpu.memory_space<vmem>>, %arg9: memref<128x40xf32, #tpu.memory_space<vmem>>, %arg10: memref<10240x40xf32, #tpu.memory_space<vmem_shared>>, %arg11: memref<10240x40xf32, #tpu.memory_space<vmem_shared>>, %arg12: memref<!tpu.dma_semaphore, #tpu.memory_space<semaphore_mem>>, %arg13: memref<!tpu.dma_semaphore, #tpu.memory_space<semaphore_mem>>) attributes {dimension_semantics = [#tpu.dimension_semantics<core_parallel>, #tpu.dimension_semantics<subcore_parallel>], iteration_bounds = array<i64: 2, 16>, scalar_prefetch = 0 : i64, scratch_operands = 8 : i64, tpu.core_type = #tpu.core_type<sc_vector_subcore>, window_params = [{transform_indices = #map}, {transform_indices = #map1}, {transform_indices = #map1}, {transform_indices = #map}]} {
    %mul3A = arith.constant 16 : i32
    %mul3A_0 = arith.muli %arg0, %mul3A : i32
    %add3A = arith.addi %mul3A_0, %arg1 : i32
    %mul3A_1 = arith.constant 640 : i32
    %mul3A_2 = arith.muli %arg1, %mul3A_1 : i32
    %dma_start3A = arith.constant 0 : i32
    %dma_start3A_3 = tpu.memref_slice %arg10[%mul3A_2, %dma_start3A] : memref<10240x40xf32, #tpu.memory_space<vmem_shared>> -> memref<640x40xf32, #tpu.memory_space<vmem_shared>>
    %dma_start3A_4 = arith.constant 0 : i32
    %dma_start3A_5 = tpu.memref_slice %arg2[%mul3A_2, %dma_start3A_4] : memref<10240x40xf32, #tpu.memory_space<hbm>> -> memref<640x40xf32, #tpu.memory_space<hbm>>
    tpu.enqueue_dma source(%dma_start3A_5 : memref<640x40xf32, #tpu.memory_space<hbm>>) target(%dma_start3A_3 : memref<640x40xf32, #tpu.memory_space<vmem_shared>>) target_semaphore(%arg12 : memref<!tpu.dma_semaphore, #tpu.memory_space<semaphore_mem>>)
    %dma_start3A_6 = arith.constant 0 : i32
    %dma_start3A_7 = tpu.memref_slice %arg11[%mul3A_2, %dma_start3A_6] : memref<10240x40xf32, #tpu.memory_space<vmem_shared>> -> memref<640x40xf32, #tpu.memory_space<vmem_shared>>
    %dma_start3A_8 = arith.constant 0 : i32
    %dma_start3A_9 = tpu.memref_slice %arg2[%mul3A_2, %dma_start3A_8] : memref<10240x40xf32, #tpu.memory_space<hbm>> -> memref<640x40xf32, #tpu.memory_space<hbm>>
    tpu.enqueue_dma source(%dma_start3A_9 : memref<640x40xf32, #tpu.memory_space<hbm>>) target(%dma_start3A_7 : memref<640x40xf32, #tpu.memory_space<vmem_shared>>) target_semaphore(%arg12 : memref<!tpu.dma_semaphore, #tpu.memory_space<semaphore_mem>>)
    %dma_start3A_10 = arith.constant 0 : i32
    %dma_start3A_11 = arith.constant 0 : i32
    %dma_start3A_12 = tpu.memref_slice %arg3[%add3A, %dma_start3A_10, %dma_start3A_11] : memref<32x80x128xi32, #tpu.memory_space<hbm>> -> memref<1x80x128xi32, #tpu.memory_space<hbm>>
    %dma_start3A_13 = tpu.memref_squeeze %dma_start3A_12 : memref<1x80x128xi32, #tpu.memory_space<hbm>> -> memref<80x128xi32, #tpu.memory_space<hbm>>
    %dma_start3A_14 = arith.constant 0 : i32
    %dma_start3A_15 = arith.constant 0 : i32
    %dma_start3A_16 = tpu.memref_slice %arg3[%add3A, %dma_start3A_14, %dma_start3A_15] : memref<32x80x128xi32, #tpu.memory_space<hbm>> -> memref<1x80x128xi32, #tpu.memory_space<hbm>>
    %dma_start3A_17 = tpu.memref_squeeze %dma_start3A_16 : memref<1x80x128xi32, #tpu.memory_space<hbm>> -> memref<80x128xi32, #tpu.memory_space<hbm>>
    tpu.enqueue_dma source(%dma_start3A_17 : memref<80x128xi32, #tpu.memory_space<hbm>>) target(%arg6 : memref<80x128xi32, #tpu.memory_space<vmem>>) target_semaphore(%arg13 : memref<!tpu.dma_semaphore, #tpu.memory_space<semaphore_mem>>)
    %dma_start3A_18 = arith.constant 0 : i32
    %dma_start3A_19 = arith.constant 0 : i32
    %dma_start3A_20 = tpu.memref_slice %arg4[%add3A, %dma_start3A_18, %dma_start3A_19] : memref<32x80x128xi32, #tpu.memory_space<hbm>> -> memref<1x80x128xi32, #tpu.memory_space<hbm>>
    %dma_start3A_21 = tpu.memref_squeeze %dma_start3A_20 : memref<1x80x128xi32, #tpu.memory_space<hbm>> -> memref<80x128xi32, #tpu.memory_space<hbm>>
    %dma_start3A_22 = arith.constant 0 : i32
    %dma_start3A_23 = arith.constant 0 : i32
    %dma_start3A_24 = tpu.memref_slice %arg4[%add3A, %dma_start3A_22, %dma_start3A_23] : memref<32x80x128xi32, #tpu.memory_space<hbm>> -> memref<1x80x128xi32, #tpu.memory_space<hbm>>
    %dma_start3A_25 = tpu.memref_squeeze %dma_start3A_24 : memref<1x80x128xi32, #tpu.memory_space<hbm>> -> memref<80x128xi32, #tpu.memory_space<hbm>>
    tpu.enqueue_dma source(%dma_start3A_25 : memref<80x128xi32, #tpu.memory_space<hbm>>) target(%arg7 : memref<80x128xi32, #tpu.memory_space<vmem>>) target_semaphore(%arg13 : memref<!tpu.dma_semaphore, #tpu.memory_space<semaphore_mem>>)
    %dma_wait3A = arith.constant 0 : i32
    %dma_wait3A_26 = tpu.memref_slice %arg10[%mul3A_2, %dma_wait3A] : memref<10240x40xf32, #tpu.memory_space<vmem_shared>> -> memref<640x40xf32, #tpu.memory_space<vmem_shared>>
    %dma_wait3A_27 = arith.constant 0 : i32
    %dma_wait3A_28 = tpu.memref_slice %arg2[%mul3A_2, %dma_wait3A_27] : memref<10240x40xf32, #tpu.memory_space<hbm>> -> memref<640x40xf32, #tpu.memory_space<hbm>>
    tpu.wait_dma2 semaphore(%arg12 : memref<!tpu.dma_semaphore, #tpu.memory_space<semaphore_mem>>) src(%dma_wait3A_28 : memref<640x40xf32, #tpu.memory_space<hbm>>) dst(%dma_wait3A_26 : memref<640x40xf32, #tpu.memory_space<vmem_shared>>)
    %dma_wait3A_29 = arith.constant 0 : i32
    %dma_wait3A_30 = tpu.memref_slice %arg11[%mul3A_2, %dma_wait3A_29] : memref<10240x40xf32, #tpu.memory_space<vmem_shared>> -> memref<640x40xf32, #tpu.memory_space<vmem_shared>>
    %dma_wait3A_31 = arith.constant 0 : i32
    %dma_wait3A_32 = tpu.memref_slice %arg2[%mul3A_2, %dma_wait3A_31] : memref<10240x40xf32, #tpu.memory_space<hbm>> -> memref<640x40xf32, #tpu.memory_space<hbm>>
    tpu.wait_dma2 semaphore(%arg12 : memref<!tpu.dma_semaphore, #tpu.memory_space<semaphore_mem>>) src(%dma_wait3A_32 : memref<640x40xf32, #tpu.memory_space<hbm>>) dst(%dma_wait3A_30 : memref<640x40xf32, #tpu.memory_space<vmem_shared>>)
    %dma_wait3A_33 = arith.constant 0 : i32
    %dma_wait3A_34 = arith.constant 0 : i32
    %dma_wait3A_35 = tpu.memref_slice %arg3[%add3A, %dma_wait3A_33, %dma_wait3A_34] : memref<32x80x128xi32, #tpu.memory_space<hbm>> -> memref<1x80x128xi32, #tpu.memory_space<hbm>>
    %dma_wait3A_36 = tpu.memref_squeeze %dma_wait3A_35 : memref<1x80x128xi32, #tpu.memory_space<hbm>> -> memref<80x128xi32, #tpu.memory_space<hbm>>
    %dma_wait3A_37 = arith.constant 0 : i32
    %dma_wait3A_38 = arith.constant 0 : i32
    %dma_wait3A_39 = tpu.memref_slice %arg3[%add3A, %dma_wait3A_37, %dma_wait3A_38] : memref<32x80x128xi32, #tpu.memory_space<hbm>> -> memref<1x80x128xi32, #tpu.memory_space<hbm>>
    %dma_wait3A_40 = tpu.memref_squeeze %dma_wait3A_39 : memref<1x80x128xi32, #tpu.memory_space<hbm>> -> memref<80x128xi32, #tpu.memory_space<hbm>>
    tpu.wait_dma2 semaphore(%arg13 : memref<!tpu.dma_semaphore, #tpu.memory_space<semaphore_mem>>) src(%dma_wait3A_40 : memref<80x128xi32, #tpu.memory_space<hbm>>) dst(%arg6 : memref<80x128xi32, #tpu.memory_space<vmem>>)
    %dma_wait3A_41 = arith.constant 0 : i32
    %dma_wait3A_42 = arith.constant 0 : i32
    %dma_wait3A_43 = tpu.memref_slice %arg4[%add3A, %dma_wait3A_41, %dma_wait3A_42] : memref<32x80x128xi32, #tpu.memory_space<hbm>> -> memref<1x80x128xi32, #tpu.memory_space<hbm>>
    %dma_wait3A_44 = tpu.memref_squeeze %dma_wait3A_43 : memref<1x80x128xi32, #tpu.memory_space<hbm>> -> memref<80x128xi32, #tpu.memory_space<hbm>>
    %dma_wait3A_45 = arith.constant 0 : i32
    %dma_wait3A_46 = arith.constant 0 : i32
    %dma_wait3A_47 = tpu.memref_slice %arg4[%add3A, %dma_wait3A_45, %dma_wait3A_46] : memref<32x80x128xi32, #tpu.memory_space<hbm>> -> memref<1x80x128xi32, #tpu.memory_space<hbm>>
    %dma_wait3A_48 = tpu.memref_squeeze %dma_wait3A_47 : memref<1x80x128xi32, #tpu.memory_space<hbm>> -> memref<80x128xi32, #tpu.memory_space<hbm>>
    tpu.wait_dma2 semaphore(%arg13 : memref<!tpu.dma_semaphore, #tpu.memory_space<semaphore_mem>>) src(%dma_wait3A_48 : memref<80x128xi32, #tpu.memory_space<hbm>>) dst(%arg7 : memref<80x128xi32, #tpu.memory_space<vmem>>)
    %barrier3A = arith.constant 0 : index
    tpu.barrier barrier_id(%barrier3A)
    %dma_start3A_49 = arith.constant 0 : i32
    %dma_start3A_50 = arith.constant 0 : i32
    %dma_start3A_51 = tpu.memref_slice %arg6[%dma_start3A_49, %dma_start3A_50] : memref<80x128xi32, #tpu.memory_space<vmem>> -> memref<1x128xi32, #tpu.memory_space<vmem>>
    %dma_start3A_52 = tpu.memref_squeeze %dma_start3A_51 : memref<1x128xi32, #tpu.memory_space<vmem>> -> memref<128xi32, #tpu.memory_space<vmem>>
    %dma_start3A_53 = arith.constant 0 : i32
    %dma_start3A_54 = arith.constant 0 : i32
    %dma_start3A_55 = tpu.memref_slice %arg10[%dma_start3A_53, %dma_start3A_54] : memref<10240x40xf32, #tpu.memory_space<vmem_shared>> -> memref<10240x40xf32, #tpu.memory_space<vmem_shared>>
    tpu.enqueue_indirect_dma source(%dma_start3A_55 : memref<10240x40xf32, #tpu.memory_space<vmem_shared>>) target(%arg8 : memref<128x40xf32, #tpu.memory_space<vmem>>) offsets(%dma_start3A_52 : memref<128xi32, #tpu.memory_space<vmem>>) semaphore(%arg12 : memref<!tpu.dma_semaphore, #tpu.memory_space<semaphore_mem>>)
    %scan3A = arith.constant 0 : i32
    %scan3A_56 = arith.constant 0 : i32
    %scan3A_57 = arith.constant 39 : i32
    %scan3A_58 = arith.addi %scan3A_56, %scan3A_57 : i32
    %scan3A_59 = arith.constant 1 : i32
    %scan3A_60 = scf.for %scan3A_86 = %scan3A_56 to %scan3A_58 step %scan3A_59 iter_args(%scan3A_87 = %scan3A) -> (i32)  : i32 {
      %mul3A_88 = arith.constant 2 : i32
      %mul3A_89 = arith.muli %mul3A_88, %scan3A_86 : i32
      %add3A_90 = arith.constant 1 : i32
      %add3A_91 = arith.addi %mul3A_89, %add3A_90 : i32
      %dma_start3A_92 = arith.constant 0 : i32
      %dma_start3A_93 = tpu.memref_slice %arg6[%add3A_91, %dma_start3A_92] : memref<80x128xi32, #tpu.memory_space<vmem>> -> memref<1x128xi32, #tpu.memory_space<vmem>>
      %dma_start3A_94 = tpu.memref_squeeze %dma_start3A_93 : memref<1x128xi32, #tpu.memory_space<vmem>> -> memref<128xi32, #tpu.memory_space<vmem>>
      %dma_start3A_95 = arith.constant 0 : i32
      %dma_start3A_96 = arith.constant 0 : i32
      %dma_start3A_97 = tpu.memref_slice %arg10[%dma_start3A_95, %dma_start3A_96] : memref<10240x40xf32, #tpu.memory_space<vmem_shared>> -> memref<10240x40xf32, #tpu.memory_space<vmem_shared>>
      tpu.enqueue_indirect_dma source(%dma_start3A_97 : memref<10240x40xf32, #tpu.memory_space<vmem_shared>>) target(%arg9 : memref<128x40xf32, #tpu.memory_space<vmem>>) offsets(%dma_start3A_94 : memref<128xi32, #tpu.memory_space<vmem>>) semaphore(%arg13 : memref<!tpu.dma_semaphore, #tpu.memory_space<semaphore_mem>>)
      %dma_wait3A_98 = arith.constant 0 : i32
      %dma_wait3A_99 = arith.constant 0 : i32
      %dma_wait3A_100 = tpu.memref_slice %arg2[%dma_wait3A_98, %dma_wait3A_99] : memref<10240x40xf32, #tpu.memory_space<hbm>> -> memref<128x40xf32, #tpu.memory_space<hbm>>
      %dma_wait3A_101 = arith.constant 0 : i32
      %dma_wait3A_102 = arith.constant 0 : i32
      %dma_wait3A_103 = tpu.memref_slice %arg2[%dma_wait3A_101, %dma_wait3A_102] : memref<10240x40xf32, #tpu.memory_space<hbm>> -> memref<128x40xf32, #tpu.memory_space<hbm>>
      tpu.wait_dma2 semaphore(%arg12 : memref<!tpu.dma_semaphore, #tpu.memory_space<semaphore_mem>>) src(%dma_wait3A_103 : memref<128x40xf32, #tpu.memory_space<hbm>>) dst(%arg8 : memref<128x40xf32, #tpu.memory_space<vmem>>)
      "tpu.region"() ({
        %run_scoped3A_121 = tpu.sem_alloc : memref<!tpu.dma_semaphore, #tpu.memory_space<semaphore_mem>>
        %dma_start3A_122 = arith.constant 0 : i32
        %dma_start3A_123 = tpu.memref_slice %arg7[%mul3A_89, %dma_start3A_122] : memref<80x128xi32, #tpu.memory_space<vmem>> -> memref<1x128xi32, #tpu.memory_space<vmem>>
        %dma_start3A_124 = tpu.memref_squeeze %dma_start3A_123 : memref<1x128xi32, #tpu.memory_space<vmem>> -> memref<128xi32, #tpu.memory_space<vmem>>
        %dma_start3A_125 = arith.constant 0 : i32
        %dma_start3A_126 = arith.constant 0 : i32
        %dma_start3A_127 = tpu.memref_slice %arg11[%dma_start3A_125, %dma_start3A_126] : memref<10240x40xf32, #tpu.memory_space<vmem_shared>> -> memref<10240x40xf32, #tpu.memory_space<vmem_shared>>
        tpu.enqueue_indirect_dma source(%arg8 : memref<128x40xf32, #tpu.memory_space<vmem>>) target(%dma_start3A_127 : memref<10240x40xf32, #tpu.memory_space<vmem_shared>>) offsets(%dma_start3A_124 : memref<128xi32, #tpu.memory_space<vmem>>) semaphore(%run_scoped3A_121 : memref<!tpu.dma_semaphore, #tpu.memory_space<semaphore_mem>>) {add = true}
        %dma_wait3A_128 = arith.constant 0 : i32
        %dma_wait3A_129 = tpu.memref_slice %arg7[%mul3A_89, %dma_wait3A_128] : memref<80x128xi32, #tpu.memory_space<vmem>> -> memref<1x128xi32, #tpu.memory_space<vmem>>
        %dma_wait3A_130 = tpu.memref_squeeze %dma_wait3A_129 : memref<1x128xi32, #tpu.memory_space<vmem>> -> memref<128xi32, #tpu.memory_space<vmem>>
        %dma_wait3A_131 = arith.constant 0 : i32
        %dma_wait3A_132 = arith.constant 0 : i32
        %dma_wait3A_133 = tpu.memref_slice %arg11[%dma_wait3A_131, %dma_wait3A_132] : memref<10240x40xf32, #tpu.memory_space<vmem_shared>> -> memref<10240x40xf32, #tpu.memory_space<vmem_shared>>
        tpu.wait_indirect_dma semaphore(%run_scoped3A_121 : memref<!tpu.dma_semaphore, #tpu.memory_space<semaphore_mem>>) src(%arg8 : memref<128x40xf32, #tpu.memory_space<vmem>>) dst(%dma_wait3A_133 : memref<10240x40xf32, #tpu.memory_space<vmem_shared>>)
        tpu.yield
      }) : () -> ()
      %add3A_104 = arith.constant 2 : i32
      %add3A_105 = arith.addi %mul3A_89, %add3A_104 : i32
      %dma_start3A_106 = arith.constant 0 : i32
      %dma_start3A_107 = tpu.memref_slice %arg6[%add3A_105, %dma_start3A_106] : memref<80x128xi32, #tpu.memory_space<vmem>> -> memref<1x128xi32, #tpu.memory_space<vmem>>
      %dma_start3A_108 = tpu.memref_squeeze %dma_start3A_107 : memref<1x128xi32, #tpu.memory_space<vmem>> -> memref<128xi32, #tpu.memory_space<vmem>>
      %dma_start3A_109 = arith.constant 0 : i32
      %dma_start3A_110 = arith.constant 0 : i32
      %dma_start3A_111 = tpu.memref_slice %arg10[%dma_start3A_109, %dma_start3A_110] : memref<10240x40xf32, #tpu.memory_space<vmem_shared>> -> memref<10240x40xf32, #tpu.memory_space<vmem_shared>>
      tpu.enqueue_indirect_dma source(%dma_start3A_111 : memref<10240x40xf32, #tpu.memory_space<vmem_shared>>) target(%arg8 : memref<128x40xf32, #tpu.memory_space<vmem>>) offsets(%dma_start3A_108 : memref<128xi32, #tpu.memory_space<vmem>>) semaphore(%arg12 : memref<!tpu.dma_semaphore, #tpu.memory_space<semaphore_mem>>)
      %dma_wait3A_112 = arith.constant 0 : i32
      %dma_wait3A_113 = arith.constant 0 : i32
      %dma_wait3A_114 = tpu.memref_slice %arg2[%dma_wait3A_112, %dma_wait3A_113] : memref<10240x40xf32, #tpu.memory_space<hbm>> -> memref<128x40xf32, #tpu.memory_space<hbm>>
      %dma_wait3A_115 = arith.constant 0 : i32
      %dma_wait3A_116 = arith.constant 0 : i32
      %dma_wait3A_117 = tpu.memref_slice %arg2[%dma_wait3A_115, %dma_wait3A_116] : memref<10240x40xf32, #tpu.memory_space<hbm>> -> memref<128x40xf32, #tpu.memory_space<hbm>>
      tpu.wait_dma2 semaphore(%arg13 : memref<!tpu.dma_semaphore, #tpu.memory_space<semaphore_mem>>) src(%dma_wait3A_117 : memref<128x40xf32, #tpu.memory_space<hbm>>) dst(%arg9 : memref<128x40xf32, #tpu.memory_space<vmem>>)
      %add3A_118 = arith.constant 1 : i32
      %add3A_119 = arith.addi %mul3A_89, %add3A_118 : i32
      "tpu.region"() ({
        %run_scoped3A_121 = tpu.sem_alloc : memref<!tpu.dma_semaphore, #tpu.memory_space<semaphore_mem>>
        %dma_start3A_122 = arith.constant 0 : i32
        %dma_start3A_123 = tpu.memref_slice %arg7[%add3A_119, %dma_start3A_122] : memref<80x128xi32, #tpu.memory_space<vmem>> -> memref<1x128xi32, #tpu.memory_space<vmem>>
        %dma_start3A_124 = tpu.memref_squeeze %dma_start3A_123 : memref<1x128xi32, #tpu.memory_space<vmem>> -> memref<128xi32, #tpu.memory_space<vmem>>
        %dma_start3A_125 = arith.constant 0 : i32
        %dma_start3A_126 = arith.constant 0 : i32
        %dma_start3A_127 = tpu.memref_slice %arg11[%dma_start3A_125, %dma_start3A_126] : memref<10240x40xf32, #tpu.memory_space<vmem_shared>> -> memref<10240x40xf32, #tpu.memory_space<vmem_shared>>
        tpu.enqueue_indirect_dma source(%arg9 : memref<128x40xf32, #tpu.memory_space<vmem>>) target(%dma_start3A_127 : memref<10240x40xf32, #tpu.memory_space<vmem_shared>>) offsets(%dma_start3A_124 : memref<128xi32, #tpu.memory_space<vmem>>) semaphore(%run_scoped3A_121 : memref<!tpu.dma_semaphore, #tpu.memory_space<semaphore_mem>>) {add = true}
        %dma_wait3A_128 = arith.constant 0 : i32
        %dma_wait3A_129 = tpu.memref_slice %arg7[%add3A_119, %dma_wait3A_128] : memref<80x128xi32, #tpu.memory_space<vmem>> -> memref<1x128xi32, #tpu.memory_space<vmem>>
        %dma_wait3A_130 = tpu.memref_squeeze %dma_wait3A_129 : memref<1x128xi32, #tpu.memory_space<vmem>> -> memref<128xi32, #tpu.memory_space<vmem>>
        %dma_wait3A_131 = arith.constant 0 : i32
        %dma_wait3A_132 = arith.constant 0 : i32
        %dma_wait3A_133 = tpu.memref_slice %arg11[%dma_wait3A_131, %dma_wait3A_132] : memref<10240x40xf32, #tpu.memory_space<vmem_shared>> -> memref<10240x40xf32, #tpu.memory_space<vmem_shared>>
        tpu.wait_indirect_dma semaphore(%run_scoped3A_121 : memref<!tpu.dma_semaphore, #tpu.memory_space<semaphore_mem>>) src(%arg9 : memref<128x40xf32, #tpu.memory_space<vmem>>) dst(%dma_wait3A_133 : memref<10240x40xf32, #tpu.memory_space<vmem_shared>>)
        tpu.yield
      }) : () -> ()
      %scan3A_120 = arith.constant 0 : i32
      scf.yield %scan3A_120 : i32
    }
    %scan3A_61 = arith.constant 39 : i32
    %dma_start3A_62 = arith.constant 79 : i32
    %dma_start3A_63 = arith.constant 0 : i32
    %dma_start3A_64 = tpu.memref_slice %arg6[%dma_start3A_62, %dma_start3A_63] : memref<80x128xi32, #tpu.memory_space<vmem>> -> memref<1x128xi32, #tpu.memory_space<vmem>>
    %dma_start3A_65 = tpu.memref_squeeze %dma_start3A_64 : memref<1x128xi32, #tpu.memory_space<vmem>> -> memref<128xi32, #tpu.memory_space<vmem>>
    %dma_start3A_66 = arith.constant 0 : i32
    %dma_start3A_67 = arith.constant 0 : i32
    %dma_start3A_68 = tpu.memref_slice %arg10[%dma_start3A_66, %dma_start3A_67] : memref<10240x40xf32, #tpu.memory_space<vmem_shared>> -> memref<10240x40xf32, #tpu.memory_space<vmem_shared>>
    tpu.enqueue_indirect_dma source(%dma_start3A_68 : memref<10240x40xf32, #tpu.memory_space<vmem_shared>>) target(%arg9 : memref<128x40xf32, #tpu.memory_space<vmem>>) offsets(%dma_start3A_65 : memref<128xi32, #tpu.memory_space<vmem>>) semaphore(%arg13 : memref<!tpu.dma_semaphore, #tpu.memory_space<semaphore_mem>>)
    %dma_wait3A_69 = arith.constant 0 : i32
    %dma_wait3A_70 = arith.constant 0 : i32
    %dma_wait3A_71 = tpu.memref_slice %arg2[%dma_wait3A_69, %dma_wait3A_70] : memref<10240x40xf32, #tpu.memory_space<hbm>> -> memref<128x40xf32, #tpu.memory_space<hbm>>
    %dma_wait3A_72 = arith.constant 0 : i32
    %dma_wait3A_73 = arith.constant 0 : i32
    %dma_wait3A_74 = tpu.memref_slice %arg2[%dma_wait3A_72, %dma_wait3A_73] : memref<10240x40xf32, #tpu.memory_space<hbm>> -> memref<128x40xf32, #tpu.memory_space<hbm>>
    tpu.wait_dma2 semaphore(%arg12 : memref<!tpu.dma_semaphore, #tpu.memory_space<semaphore_mem>>) src(%dma_wait3A_74 : memref<128x40xf32, #tpu.memory_space<hbm>>) dst(%arg8 : memref<128x40xf32, #tpu.memory_space<vmem>>)
    %run_scoped3A = arith.constant 78 : i32
    "tpu.region"() ({
      %run_scoped3A_86 = tpu.sem_alloc : memref<!tpu.dma_semaphore, #tpu.memory_space<semaphore_mem>>
      %dma_start3A_87 = arith.constant 0 : i32
      %dma_start3A_88 = tpu.memref_slice %arg7[%run_scoped3A, %dma_start3A_87] : memref<80x128xi32, #tpu.memory_space<vmem>> -> memref<1x128xi32, #tpu.memory_space<vmem>>
      %dma_start3A_89 = tpu.memref_squeeze %dma_start3A_88 : memref<1x128xi32, #tpu.memory_space<vmem>> -> memref<128xi32, #tpu.memory_space<vmem>>
      %dma_start3A_90 = arith.constant 0 : i32
      %dma_start3A_91 = arith.constant 0 : i32
      %dma_start3A_92 = tpu.memref_slice %arg11[%dma_start3A_90, %dma_start3A_91] : memref<10240x40xf32, #tpu.memory_space<vmem_shared>> -> memref<10240x40xf32, #tpu.memory_space<vmem_shared>>
      tpu.enqueue_indirect_dma source(%arg8 : memref<128x40xf32, #tpu.memory_space<vmem>>) target(%dma_start3A_92 : memref<10240x40xf32, #tpu.memory_space<vmem_shared>>) offsets(%dma_start3A_89 : memref<128xi32, #tpu.memory_space<vmem>>) semaphore(%run_scoped3A_86 : memref<!tpu.dma_semaphore, #tpu.memory_space<semaphore_mem>>) {add = true}
      %dma_wait3A_93 = arith.constant 0 : i32
      %dma_wait3A_94 = tpu.memref_slice %arg7[%run_scoped3A, %dma_wait3A_93] : memref<80x128xi32, #tpu.memory_space<vmem>> -> memref<1x128xi32, #tpu.memory_space<vmem>>
      %dma_wait3A_95 = tpu.memref_squeeze %dma_wait3A_94 : memref<1x128xi32, #tpu.memory_space<vmem>> -> memref<128xi32, #tpu.memory_space<vmem>>
      %dma_wait3A_96 = arith.constant 0 : i32
      %dma_wait3A_97 = arith.constant 0 : i32
      %dma_wait3A_98 = tpu.memref_slice %arg11[%dma_wait3A_96, %dma_wait3A_97] : memref<10240x40xf32, #tpu.memory_space<vmem_shared>> -> memref<10240x40xf32, #tpu.memory_space<vmem_shared>>
      tpu.wait_indirect_dma semaphore(%run_scoped3A_86 : memref<!tpu.dma_semaphore, #tpu.memory_space<semaphore_mem>>) src(%arg8 : memref<128x40xf32, #tpu.memory_space<vmem>>) dst(%dma_wait3A_98 : memref<10240x40xf32, #tpu.memory_space<vmem_shared>>)
      tpu.yield
    }) : () -> ()
    %dma_wait3A_75 = arith.constant 0 : i32
    %dma_wait3A_76 = arith.constant 0 : i32
    %dma_wait3A_77 = tpu.memref_slice %arg2[%dma_wait3A_75, %dma_wait3A_76] : memref<10240x40xf32, #tpu.memory_space<hbm>> -> memref<128x40xf32, #tpu.memory_space<hbm>>
    %dma_wait3A_78 = arith.constant 0 : i32
    %dma_wait3A_79 = arith.constant 0 : i32
    %dma_wait3A_80 = tpu.memref_slice %arg2[%dma_wait3A_78, %dma_wait3A_79] : memref<10240x40xf32, #tpu.memory_space<hbm>> -> memref<128x40xf32, #tpu.memory_space<hbm>>
    tpu.wait_dma2 semaphore(%arg13 : memref<!tpu.dma_semaphore, #tpu.memory_space<semaphore_mem>>) src(%dma_wait3A_80 : memref<128x40xf32, #tpu.memory_space<hbm>>) dst(%arg9 : memref<128x40xf32, #tpu.memory_space<vmem>>)
    %run_scoped3A_81 = arith.constant 79 : i32
    "tpu.region"() ({
      %run_scoped3A_86 = tpu.sem_alloc : memref<!tpu.dma_semaphore, #tpu.memory_space<semaphore_mem>>
      %dma_start3A_87 = arith.constant 0 : i32
      %dma_start3A_88 = tpu.memref_slice %arg7[%run_scoped3A_81, %dma_start3A_87] : memref<80x128xi32, #tpu.memory_space<vmem>> -> memref<1x128xi32, #tpu.memory_space<vmem>>
      %dma_start3A_89 = tpu.memref_squeeze %dma_start3A_88 : memref<1x128xi32, #tpu.memory_space<vmem>> -> memref<128xi32, #tpu.memory_space<vmem>>
      %dma_start3A_90 = arith.constant 0 : i32
      %dma_start3A_91 = arith.constant 0 : i32
      %dma_start3A_92 = tpu.memref_slice %arg11[%dma_start3A_90, %dma_start3A_91] : memref<10240x40xf32, #tpu.memory_space<vmem_shared>> -> memref<10240x40xf32, #tpu.memory_space<vmem_shared>>
      tpu.enqueue_indirect_dma source(%arg9 : memref<128x40xf32, #tpu.memory_space<vmem>>) target(%dma_start3A_92 : memref<10240x40xf32, #tpu.memory_space<vmem_shared>>) offsets(%dma_start3A_89 : memref<128xi32, #tpu.memory_space<vmem>>) semaphore(%run_scoped3A_86 : memref<!tpu.dma_semaphore, #tpu.memory_space<semaphore_mem>>) {add = true}
      %dma_wait3A_93 = arith.constant 0 : i32
      %dma_wait3A_94 = tpu.memref_slice %arg7[%run_scoped3A_81, %dma_wait3A_93] : memref<80x128xi32, #tpu.memory_space<vmem>> -> memref<1x128xi32, #tpu.memory_space<vmem>>
      %dma_wait3A_95 = tpu.memref_squeeze %dma_wait3A_94 : memref<1x128xi32, #tpu.memory_space<vmem>> -> memref<128xi32, #tpu.memory_space<vmem>>
      %dma_wait3A_96 = arith.constant 0 : i32
      %dma_wait3A_97 = arith.constant 0 : i32
      %dma_wait3A_98 = tpu.memref_slice %arg11[%dma_wait3A_96, %dma_wait3A_97] : memref<10240x40xf32, #tpu.memory_space<vmem_shared>> -> memref<10240x40xf32, #tpu.memory_space<vmem_shared>>
      tpu.wait_indirect_dma semaphore(%run_scoped3A_86 : memref<!tpu.dma_semaphore, #tpu.memory_space<semaphore_mem>>) src(%arg9 : memref<128x40xf32, #tpu.memory_space<vmem>>) dst(%dma_wait3A_98 : memref<10240x40xf32, #tpu.memory_space<vmem_shared>>)
      tpu.yield
    }) : () -> ()
    %barrier3A_82 = arith.constant 0 : index
    tpu.barrier barrier_id(%barrier3A_82)
    %mul3A_83 = arith.constant 10240 : i32
    %mul3A_84 = arith.muli %arg0, %mul3A_83 : i32
    %add3A_85 = arith.addi %mul3A_84, %mul3A_2 : i32
    "tpu.region"() ({
      %run_scoped3A_86 = tpu.sem_alloc : memref<!tpu.dma_semaphore, #tpu.memory_space<semaphore_mem>>
      %dma_start3A_87 = arith.constant 0 : i32
      %dma_start3A_88 = tpu.memref_slice %arg5[%add3A_85, %dma_start3A_87] : memref<20480x40xf32, #tpu.memory_space<hbm>> -> memref<640x40xf32, #tpu.memory_space<hbm>>
      %dma_start3A_89 = arith.constant 0 : i32
      %dma_start3A_90 = tpu.memref_slice %arg11[%mul3A_2, %dma_start3A_89] : memref<10240x40xf32, #tpu.memory_space<vmem_shared>> -> memref<640x40xf32, #tpu.memory_space<vmem_shared>>
      tpu.enqueue_dma source(%dma_start3A_90 : memref<640x40xf32, #tpu.memory_space<vmem_shared>>) target(%dma_start3A_88 : memref<640x40xf32, #tpu.memory_space<hbm>>) target_semaphore(%run_scoped3A_86 : memref<!tpu.dma_semaphore, #tpu.memory_space<semaphore_mem>>)
      %dma_wait3A_91 = arith.constant 0 : i32
      %dma_wait3A_92 = tpu.memref_slice %arg5[%add3A_85, %dma_wait3A_91] : memref<20480x40xf32, #tpu.memory_space<hbm>> -> memref<640x40xf32, #tpu.memory_space<hbm>>
      %dma_wait3A_93 = arith.constant 0 : i32
      %dma_wait3A_94 = tpu.memref_slice %arg11[%mul3A_2, %dma_wait3A_93] : memref<10240x40xf32, #tpu.memory_space<vmem_shared>> -> memref<640x40xf32, #tpu.memory_space<vmem_shared>>
      tpu.wait_dma2 semaphore(%run_scoped3A_86 : memref<!tpu.dma_semaphore, #tpu.memory_space<semaphore_mem>>) src(%dma_wait3A_94 : memref<640x40xf32, #tpu.memory_space<vmem_shared>>) dst(%dma_wait3A_92 : memref<640x40xf32, #tpu.memory_space<hbm>>)
      tpu.yield
    }) : () -> ()
    return
  }
}

module attributes {stable_mosaic.version = 14 : i64} {
  func.func @_tc_a_body(%arg0: i32, %arg1: memref<1024x128xf32, #tpu.memory_space<vmem>>, %arg2: memref<128x40xf32, #tpu.memory_space<vmem>>, %arg3: memref<32x1024xf32, #tpu.memory_space<vmem>>, %arg4: memref<1024x40xf32, #tpu.memory_space<vmem>>, %arg5: memref<1024x1xf32, #tpu.memory_space<vmem>>, %arg6: memref<1024x1xf32, #tpu.memory_space<vmem>>) attributes {dimension_semantics = [#tpu.dimension_semantics<arbitrary>], iteration_bounds = array<i64: 10>, scalar_prefetch = 0 : i64, scratch_operands = 0 : i64, tpu.core_type = #tpu.core_type<tc>, window_params = [{transform_indices = @transform_0, window_bounds = array<i64: 1024, 128>}, {pipeline_mode = #tpu.pipeline_mode<synchronous>, transform_indices = @transform_1, window_bounds = array<i64: 128, 40>}, {transform_indices = @transform_2, window_bounds = array<i64: 32, 1024>}, {transform_indices = @transform_3, window_bounds = array<i64: 1024, 40>}, {transform_indices = @transform_4, window_bounds = array<i64: 1024, 1>}, {transform_indices = @transform_5, window_bounds = array<i64: 1024, 1>}]} {
    %get3A = arith.constant 0 : index
    %get3A_0 = arith.constant 0 : index
    %get3A_1 = vector.load %arg3[%get3A, %get3A_0] : memref<32x1024xf32, #tpu.memory_space<vmem>>, vector<32x1024xf32>
    %reduce_sum3A = arith.constant dense<0.000000e+00> : vector<1024xf32>
    %reduce_sum3A_2 = vector.multi_reduction <add>, %get3A_1, %reduce_sum3A [0] : vector<32x1024xf32> to vector<1024xf32>
    %add3A = arith.constant 1.000000e+00 : f32
    %add3A_3 = vector.broadcast %add3A : f32 to vector<1024xf32>
    %add3A_4 = arith.addf %add3A_3, %reduce_sum3A_2 : vector<1024xf32>
    %rsqrt3A = math.rsqrt %add3A_4 : vector<1024xf32>
    %div3A = arith.constant 1.000000e+00 : f32
    %div3A_5 = vector.broadcast %div3A : f32 to vector<1024xf32>
    %div3A_6 = arith.divf %div3A_5, %add3A_4 : vector<1024xf32>
    %get3A_7 = arith.constant 0 : index
    %get3A_8 = arith.constant 0 : index
    %get3A_9 = vector.load %arg1[%get3A_7, %get3A_8] : memref<1024x128xf32, #tpu.memory_space<vmem>>, vector<1024x128xf32>
    %get3A_10 = arith.constant 0 : index
    %get3A_11 = arith.constant 0 : index
    %get3A_12 = vector.load %arg2[%get3A_10, %get3A_11] : memref<128x40xf32, #tpu.memory_space<vmem>>, vector<128x40xf32>
    %dot_general3A = arith.constant dense<0.000000e+00> : vector<1024x40xf32>
    %dot_general3A_13 = tpu.matmul %get3A_9, %get3A_12, %dot_general3A {dimension_numbers = #tpu.dot_dimension_numbers<[1], [0], [0], [1], [0, 0, 1, 1], [], []>, transpose_lhs_hint = false} : vector<1024x128xf32>, vector<128x40xf32>, vector<1024x40xf32> -> vector<1024x40xf32>
    %broadcast_in_dim3A = vector.shape_cast %rsqrt3A : vector<1024xf32> to vector<1024x1xf32>
    %mul3A = vector.broadcast %broadcast_in_dim3A : vector<1024x1xf32> to vector<1024x40xf32>
    %mul3A_14 = arith.mulf %dot_general3A_13, %mul3A : vector<1024x40xf32>
    %swap3A = arith.constant 0 : index
    %swap3A_15 = arith.constant 0 : index
    %swap3A_16 = vector.load %arg4[%swap3A, %swap3A_15] : memref<1024x40xf32, #tpu.memory_space<vmem>>, vector<1024x40xf32>
    tpu.vector_store %arg4[%swap3A, %swap3A_15], %mul3A_14 {strides = array<i32>} : memref<1024x40xf32, #tpu.memory_space<vmem>>, vector<1024x40xf32>,
    %broadcast_in_dim3A_17 = vector.shape_cast %rsqrt3A : vector<1024xf32> to vector<1024x1xf32>
    %swap3A_18 = arith.constant 0 : index
    %swap3A_19 = arith.constant 0 : index
    %swap3A_20 = vector.load %arg5[%swap3A_18, %swap3A_19] : memref<1024x1xf32, #tpu.memory_space<vmem>>, vector<1024x1xf32>
    tpu.vector_store %arg5[%swap3A_18, %swap3A_19], %broadcast_in_dim3A_17 {strides = array<i32>} : memref<1024x1xf32, #tpu.memory_space<vmem>>, vector<1024x1xf32>,
    %broadcast_in_dim3A_21 = vector.shape_cast %div3A_6 : vector<1024xf32> to vector<1024x1xf32>
    %swap3A_22 = arith.constant 0 : index
    %swap3A_23 = arith.constant 0 : index
    %swap3A_24 = vector.load %arg6[%swap3A_22, %swap3A_23] : memref<1024x1xf32, #tpu.memory_space<vmem>>, vector<1024x1xf32>
    tpu.vector_store %arg6[%swap3A_22, %swap3A_23], %broadcast_in_dim3A_21 {strides = array<i32>} : memref<1024x1xf32, #tpu.memory_space<vmem>>, vector<1024x1xf32>,
    return
  }
  func.func @transform_0(%arg0: i32) -> (i32, i32) {
    %c0_i32 = arith.constant 0 : i32
    %c0_i32_0 = arith.constant 0 : i32
    return %arg0, %c0_i32 : i32, i32
  }
  func.func @transform_1(%arg0: i32) -> (i32, i32) {
    %c0_i32 = arith.constant 0 : i32
    %c0_i32_0 = arith.constant 0 : i32
    %c0_i32_1 = arith.constant 0 : i32
    return %c0_i32, %c0_i32_0 : i32, i32
  }
  func.func @transform_2(%arg0: i32) -> (i32, i32) {
    %c0_i32 = arith.constant 0 : i32
    %c0_i32_0 = arith.constant 0 : i32
    return %c0_i32, %arg0 : i32, i32
  }
  func.func @transform_3(%arg0: i32) -> (i32, i32) {
    %c0_i32 = arith.constant 0 : i32
    %c0_i32_0 = arith.constant 0 : i32
    return %arg0, %c0_i32 : i32, i32
  }
  func.func @transform_4(%arg0: i32) -> (i32, i32) {
    %c0_i32 = arith.constant 0 : i32
    %c0_i32_0 = arith.constant 0 : i32
    return %arg0, %c0_i32 : i32, i32
  }
  func.func @transform_5(%arg0: i32) -> (i32, i32) {
    %c0_i32 = arith.constant 0 : i32
    %c0_i32_0 = arith.constant 0 : i32
    return %arg0, %c0_i32 : i32, i32
  }
}

module attributes {stable_mosaic.version = 14 : i64} {
  func.func @_tc_combine_body(%arg0: i32, %arg1: memref<2x1024x40xf32, #tpu.memory_space<vmem>>, %arg2: memref<1024x40xf32, #tpu.memory_space<vmem>>, %arg3: memref<1024x1xf32, #tpu.memory_space<vmem>>, %arg4: memref<1024x40xf32, #tpu.memory_space<vmem>>) attributes {dimension_semantics = [#tpu.dimension_semantics<arbitrary>], iteration_bounds = array<i64: 10>, scalar_prefetch = 0 : i64, scratch_operands = 0 : i64, tpu.core_type = #tpu.core_type<tc>, window_params = [{transform_indices = @transform_0, window_bounds = array<i64: 2, 1024, 40>}, {transform_indices = @transform_1, window_bounds = array<i64: 1024, 40>}, {transform_indices = @transform_2, window_bounds = array<i64: 1024, 1>}, {transform_indices = @transform_3, window_bounds = array<i64: 1024, 40>}]} {
    %get3A = arith.constant 0 : index
    %get3A_0 = arith.constant 0 : index
    %get3A_1 = arith.constant 0 : index
    %get3A_2 = vector.load %arg1[%get3A, %get3A_0, %get3A_1] : memref<2x1024x40xf32, #tpu.memory_space<vmem>>, vector<1x1024x40xf32>
    %get3A_3 = vector.shape_cast %get3A_2 : vector<1x1024x40xf32> to vector<1024x40xf32>
    %get3A_4 = arith.constant 1 : index
    %get3A_5 = arith.constant 0 : index
    %get3A_6 = arith.constant 0 : index
    %get3A_7 = vector.load %arg1[%get3A_4, %get3A_5, %get3A_6] : memref<2x1024x40xf32, #tpu.memory_space<vmem>>, vector<1x1024x40xf32>
    %get3A_8 = vector.shape_cast %get3A_7 : vector<1x1024x40xf32> to vector<1024x40xf32>
    %add3A = arith.addf %get3A_3, %get3A_8 : vector<1024x40xf32>
    %get3A_9 = arith.constant 0 : index
    %get3A_10 = arith.constant 0 : index
    %get3A_11 = vector.load %arg2[%get3A_9, %get3A_10] : memref<1024x40xf32, #tpu.memory_space<vmem>>, vector<1024x40xf32>
    %sub3A = arith.subf %add3A, %get3A_11 : vector<1024x40xf32>
    %get3A_12 = arith.constant 0 : index
    %get3A_13 = arith.constant 0 : index
    %get3A_14 = vector.load %arg3[%get3A_12, %get3A_13] : memref<1024x1xf32, #tpu.memory_space<vmem>>, vector<1024x1xf32>
    %mul3A = vector.broadcast %get3A_14 : vector<1024x1xf32> to vector<1024x40xf32>
    %mul3A_15 = arith.mulf %sub3A, %mul3A : vector<1024x40xf32>
    %swap3A = arith.constant 0 : index
    %swap3A_16 = arith.constant 0 : index
    %swap3A_17 = vector.load %arg4[%swap3A, %swap3A_16] : memref<1024x40xf32, #tpu.memory_space<vmem>>, vector<1024x40xf32>
    tpu.vector_store %arg4[%swap3A, %swap3A_16], %mul3A_15 {strides = array<i32>} : memref<1024x40xf32, #tpu.memory_space<vmem>>, vector<1024x40xf32>,
    return
  }
  func.func @transform_0(%arg0: i32) -> (i32, i32, i32) {
    %c0_i32 = arith.constant 0 : i32
    %c0_i32_0 = arith.constant 0 : i32
    %c0_i32_1 = arith.constant 0 : i32
    return %c0_i32, %arg0, %c0_i32_0 : i32, i32, i32
  }
  func.func @transform_1(%arg0: i32) -> (i32, i32) {
    %c0_i32 = arith.constant 0 : i32
    %c0_i32_0 = arith.constant 0 : i32
    return %arg0, %c0_i32 : i32, i32
  }
  func.func @transform_2(%arg0: i32) -> (i32, i32) {
    %c0_i32 = arith.constant 0 : i32
    %c0_i32_0 = arith.constant 0 : i32
    return %arg0, %c0_i32 : i32, i32
  }
  func.func @transform_3(%arg0: i32) -> (i32, i32) {
    %c0_i32 = arith.constant 0 : i32
    %c0_i32_0 = arith.constant 0 : i32
    return %arg0, %c0_i32 : i32, i32
  }
}

</mosaic_0001>

<sc_bundles>
// kernel: kernel.11.cloned.1.call-start
scs
__scs_entry_jumppad:
0x0: {  	(pc) =	sbr.rel $0x88, $3  }
0x1: {  	(tag) =	ssettag $0x0;
	lr =	simm.s32 $0x1  }
0x2: {  	[smem:$0x3F9E] =	sst lr;
	_ =	strace $0xD0000000  }
0x3: {  	_ = 	snop  }
0x4: {  	_ = 	snop  }
0x5: {  	_ = 	snop  }
0x6: {  	_ = 	snop  }
0x7: {  	_ = 	snop  }
__scs_overlays_trampoline_lowered:
0x8: {  	[smem:$0x3FAD] =	sst s0  }
0x9: {  	[smem:$0x3FAE] =	sst s1  }
0xa: {  	[smem:$0x3FAF] =	sst s2  }
0xb: {  	[smem:$0x3FB0] =	sst s3  }
0xc: {  	[smem:$0x3FB1] =	sst s4  }
0xd: {  	[smem:$0x3FB2] =	sst s5  }
0xe: {  	[smem:$0x3FB3] =	sst s6  }
0xf: {  	[smem:$0x3FB4] =	sst s7  }
0x10: {  	[smem:$0x3FB5] =	sst s8  }
0x11: {  	[smem:$0x3FB6] =	sst s9;
	s0 =	simm.s32 @!p0 $0x0  }
0x12: {  	s1 =	sld [smem:$0x3F9C];
	s0 =	simm.s32 @p0 $0x1  }
0x13: {  	[smem:$0x3FB7] =	sst s0;
	s0 =	simm.s32 @!p1 $0x0  }
0x14: {  	s2 =	sld [smem:$0x3F9B];
	s0 =	simm.s32 @p1 $0x1  }
0x15: {  	[smem:$0x3FB8] =	sst s0;
	s0 =	simm.s32 @!p2 $0x0  }
0x16: {  	s3 =	sld [smem:$0x3FDB];
	s0 =	simm.s32 @p2 $0x1  }
0x17: {  	s4 =	simm.s32 $0x1BF5;
	[smem:$0x3FBA] =	sst s0  }
0x18: {  	s0 =	sld [smem:$0x3F9D];
	_ =	swait.ge [sflag:s4], $0x0  }
0x19: {  	s7 =	sld [smem:$0x3F9E]  }
0x1a: {  	s8 =	sadd.s32 $0xFFFFE003, lr  }
0x1b: {  	s9 =	sadd.s32 $0xFFFFFEF7, lr;
	s5 =	simm.s32 $0xFFFFFFFF;
	p2 =	slt.u32 s8, $0xFFFFF086  }
0x1c: {  	p1 =	slt.u32 s9, $0xF7A;
	s5 =	simm.s32 @!p2 $0x0  }
0x1d: {  	s5 =	simm.s32 @p1 $0x1;
	p0 =	seq.s32 s7, s2  }
0x1e: {  	s7 =	smul.u32 @!p0 $0xF7A, s2;
	p2 =	seq.s32 @!p0 s5, $0x0  }
0x1f: {  	s9 =	smul.u32 $0xF7A, s1;
	s8 =	simm.s32 @!p0 $0x1BF5;
	p2 =	por !p2, p0  }
0x20: {  	[sflag:s8] =	ssyncset.s32 @!p0 $0xFFFFF086;
	s6 =	sadd.s32 @!p0 s3, s7;
	s7 =	simm.s32 @!p0 $0x108  }
0x21: {  	s3 =	sadd.s32 s3, s9;
	s6 =	sadd.s32 @!p0 $0x88, s6;
	s7 =	simm.s32 @p2 $0x1082  }
0x22: {  	[simem:s7], [sflag:s8] =	dma.local @!p0 [hbm:s6], $0xF7A  }
0x23: {  	s9 =	sor.u32 $0xD0000000, s2;
	s6 =	simm.s32 $0x108;
	_ =	swait.ge @!p0 [sflag:s8], $0x0  }
0x24: {  	s3 =	sadd.s32 $0x88, s3;
	s6 =	simm.s32 @!p1 $0x1082;
	[sflag:s4] =	ssyncset.s32 $0xFFFFF086  }
0x25: {  	[simem:s6], [sflag:s4] =	dma.local [hbm:s3], $0xF7A  }
0x26: {  	[smem:$0x3F9E] =	sst s1;
	(tag) =	ssettag s2;
	_ =	strace s9  }
0x27: {  	s1 =	sld [smem:$0x3FAE]  }
0x28: {  	s2 =	sld [smem:$0x3FAF]  }
0x29: {  	s4 =	sld [smem:$0x3FB1]  }
0x2a: {  	p0 =	seq.s32 s5, $0x0;
	s5 =	sld [smem:$0x3FB2]  }
0x2b: {  	s6 =	sld [smem:$0x3FB3]  }
0x2c: {  	s7 =	sld [smem:$0x3FB4]  }
0x2d: {  	s3 =	simm.s32 $0x108;
	s8 =	sld [smem:$0x3FB5]  }
0x2e: {  	s3 =	simm.s32 @!p0 $0x1082;
	s9 =	sld [smem:$0x3FB6]  }
0x2f: {  	lr =	sadd.s32 s0, s3;
	s0 =	sld [smem:$0x3FAD]  }
0x30: {  	s3 =	sld [smem:$0x3FB0]  }
0x31: {  	[smem:$0x3FB9] =	sst s10  }
0x32: {  	s10 =	sld [smem:$0x3FB7];
	_ =	sdelay $0x3  }
0x33: {  	p0 =	seq.s32 s10, $0x1;
	s10 =	sld [smem:$0x3FB9];
	_ =	sdelay $0x3  }
0x34: {  	[smem:$0x3FB9] =	sst s10  }
0x35: {  	s10 =	sld [smem:$0x3FB8];
	_ =	sdelay $0x3  }
0x36: {  	p1 =	seq.s32 s10, $0x1;
	s10 =	sld [smem:$0x3FB9];
	_ =	sdelay $0x3  }
0x37: {  	[smem:$0x3FB9] =	sst s10  }
0x38: {  	s10 =	sld [smem:$0x3FBA]  }
0x39: {  	_ = 	snop;
	(pc) =	sbr.ind lr, $3  }
0x3a: {  	_ = 	snop  }
0x3b: {  	_ = 	snop  }
0x3c: {  	p2 =	seq.s32 s10, $0x1;
	s10 =	sld [smem:$0x3FB9]  }
0x3d: {  	_ =	shalt  }
0x3e: {  	_ =	shalt  }
0x3f: {  	_ =	shalt  }
0x40: {  	_ =	shalt  }
0x41: {  	_ =	shalt  }
0x42: {  	_ =	shalt  }
0x43: {  	_ =	shalt  }
0x44: {  	_ =	shalt  }
0x45: {  	_ =	shalt  }
0x46: {  	_ =	shalt  }
0x47: {  	_ =	shalt  }
0x48: {  	_ =	shalt  }
0x49: {  	_ =	shalt  }
0x4a: {  	_ =	shalt  }
0x4b: {  	_ =	shalt  }
0x4c: {  	_ =	shalt  }
0x4d: {  	_ =	shalt  }
0x4e: {  	_ =	shalt  }
0x4f: {  	_ =	shalt  }
0x50: {  	_ =	shalt  }
0x51: {  	_ =	shalt  }
0x52: {  	_ =	shalt  }
0x53: {  	_ =	shalt  }
0x54: {  	_ =	shalt  }
0x55: {  	_ =	shalt  }
0x56: {  	_ =	shalt  }
0x57: {  	_ =	shalt  }
0x58: {  	_ =	shalt  }
0x59: {  	_ =	shalt  }
0x5a: {  	_ =	shalt  }
0x5b: {  	_ =	shalt  }
0x5c: {  	_ =	shalt  }
0x5d: {  	_ =	shalt  }
0x5e: {  	_ =	shalt  }
0x5f: {  	_ =	shalt  }
0x60: {  	_ =	shalt  }
0x61: {  	_ =	shalt  }
0x62: {  	_ =	shalt  }
0x63: {  	_ =	shalt  }
0x64: {  	_ =	shalt  }
0x65: {  	_ =	shalt  }
0x66: {  	_ =	shalt  }
0x67: {  	_ =	shalt  }
0x68: {  	_ =	shalt  }
0x69: {  	_ =	shalt  }
0x6a: {  	_ =	shalt  }
0x6b: {  	_ =	shalt  }
0x6c: {  	_ =	shalt  }
0x6d: {  	_ =	shalt  }
0x6e: {  	_ =	shalt  }
0x6f: {  	_ =	shalt  }
0x70: {  	_ =	shalt  }
0x71: {  	_ =	shalt  }
0x72: {  	_ =	shalt  }
0x73: {  	_ =	shalt  }
0x74: {  	_ =	shalt  }
0x75: {  	_ =	shalt  }
0x76: {  	_ =	shalt  }
0x77: {  	_ =	shalt  }
0x78: {  	_ =	shalt  }
0x79: {  	_ =	shalt  }
0x7a: {  	_ =	shalt  }
0x7b: {  	_ =	shalt  }
0x7c: {  	_ =	shalt  }
0x7d: {  	_ =	shalt  }
0x7e: {  	_ =	shalt  }
0x7f: {  	_ =	shalt  }
0x80: {  	_ =	shalt  }
0x81: {  	_ =	shalt  }
0x82: {  	_ =	shalt  }
0x83: {  	_ =	shalt  }
0x84: {  	_ =	shalt  }
0x85: {  	_ =	shalt  }
0x86: {  	_ =	shalt  }
0x87: {  	_ =	shalt  }
.Lfunc_end0:
.L_simem_size_0:
called_computation.1_lowered:
.L_overlay_start_0:
0x88: {  	s2 =	sld [smem:$0x3FD9]  }
0x89: {  	s3 =	sld [smem:$0x3FFE];
	_ =	sdelay $0x1  }
0x8a: {  	s1 =	srdreg.scid  }
0x8b: {  	s0 =	sand.u32 $0x1, s1  }
0x8c: {  	s17 =	sshll.u32 s0, $0xA;
	s2 =	sadd.s32 s3, s2  }
0x8d: {  	s2 =	sadd.s32 s2, s17  }
0x8e: {  	[smem:$0x3FC5] =	sst s2  }
0x8f: {  	_ = 	snop  }
0x90: {  	s2 =	sld [smem:$0x3FD0];
	(tm) =	ssettm $0x1  }
0x91: {  	s18 =	sld [smem:$0x3FFB];
	_ =	sdelay $0x3  }
0x92: {  	_ =	strace s18  }
0x93: {  	s3 =	sld [smem:$0x3FFC];
	_ =	sdelay $0x3  }
0x94: {  	_ =	strace s3  }
0x95: {  	s3 =	sld [smem:$0x3FFD];
	_ =	sdelay $0x3  }
0x96: {  	_ =	strace s3  }
0x97: {  	_ =	strace $0x8FFFFFFF  }
0x98: {  	s19 =	sld [smem:$0x3FDB];
	_ =	sdelay $0x1  }
0x99: {  	s4 =	simm.s32 $_scs_section_size  }
0x9a: {  	s5 =	simm.s32 $_size__tile_overlayer_lowered;
	s6 =	simm.s32 $_tile_overlayer_lowered  }
0x9b: {  	s22 =	simm.s32 $0x1BFF;
	s21 =	sshll.u32 s6, $0x1;
	s3 =	sadd.s32 s4, s19  }
0x9c: {  	s7 =	simm.s32 $0x0;
	s20 =	sshll.u32 s5, $0x1;
	s5 =	sadd.s32 s21, s3  }
0x9d: {  	[timem:s7], [sflag:s22] =	dma.local [hbm:s5], s20  }
0x9e: {  	_ =	swait.ge [sflag:s22], s20  }
0x9f: {  	s4 =	ssub.s32 $0x0, s20;
	[sflag:s22] =	ssyncset.done $0x0  }
0xa0: {  	[sflag:s22] =	ssyncadd.s32 s4;
	_ =	sdelay $0x1  }
0xa1: {  	s23 =	simm.s32 $0x1B8B  }
0xa2: {  	_ =	swait.ge [sflag:s23], $0x1  }
0xa3: {  	[sflag:s23] =	ssyncset.done $0x0  }
0xa4: {  	s25 =	simm.s32 $0x1B8E;
	s24 =	sld [smem:$0x3FFE];
	[sflag:s23] =	ssyncadd.s32 $0xFFFFFFFF  }
0xa5: {  	s26 =	simm.s32 $execute0_lowered;
	[smem:$0x3FD2] =	sst s25  }
0xa6: {  	s5 =	sshll.u32 s26, $0x1;
	_ =	strace $0x80000049;
	[dreg:$0x1] =	wrdreg $0xFFFFFFFF  }
0xa7: {  	s28 =	simm.s32 $_size_execute0_lowered;
	s3 =	sadd.s32 s3, s5;
	[dreg:$0x0] =	wrdreg $0x0  }
0xa8: {  	s5 =	sshll.u32 s28, $0x1;
	[dreg:$0x2] =	wrdreg s3  }
0xa9: {  	[dreg:$0x3] =	wrdreg s5  }
0xaa: {  	[dreg:$0x4] =	wrdreg $0xC0  }
0xab: {  	_ =	task [dreg:s7], $0x5FFFF  }
0xac: {  	[dreg:$0x1] =	wrdreg $0xFFFFFFFF  }
0xad: {  	[dreg:$0x0] =	wrdreg $0x60  }
0xae: {  	[dreg:$0x2] =	wrdreg s24  }
0xaf: {  	[dreg:$0x3] =	wrdreg s2  }
0xb0: {  	[dreg:$0x4] =	wrdreg $0x78000  }
0xb1: {  	[dreg:$0x5] =	wrdreg $0xDC000  }
0xb2: {  	[dreg:$0x6] =	wrdreg $0x9  }
0xb3: {  	_ =	task.clear_ibuf [dreg:s7], $0x7FFFF;
	_ =	strace $0x90000049  }
0xb4: {  	s29 =	simm.s32 $0x9;
	_ =	strace $0x8000004B  }
0xb5: {  	_ =	swait.ge [sflag:s29], $0x1  }
0xb6: {  	[sflag:s29] =	ssyncadd.s32 $0xFFFFFFFF  }
0xb7: {  	_ =	strace $0x9000004B  }
0xb8: {  	_ =	sfence  }
0xb9: {  	s30 =	sld [smem:$0x0];
	_ =	sdelay $0x2  }
0xba: {  	s31 =	sshll.u32 s1, $0xD;
	s1 =	sshrl.u32 s1, $0x2  }
0xbb: {  	s3 =	sand.u32 $0x4000, s31;
	s1 =	sadd.s32 s1, s30  }
0xbc: {  	s0 =	sor.u32 s3, s0;
	s1 =	sshll.u32 s1, $0x11  }
0xbd: {  	s0 =	sor.u32 s1, s0  }
0xbe: {  	s0 =	sadd.s32 $0x8F2B, s0  }
0xbf: {  	[sflag:s0] =	ssyncadd.remote.s32 $0x1  }
0xc0: {  	_ =	sfence.sel $0xFFFF  }
0xc1: {  	[dreg:$0x0] =	wrdreg $0xFFFFFFFF;
	(pc) =	sbr.abs _section_cstart, $3  }
0xc2: {  	[dreg:$0x1] =	wrdreg $0xFFFFFFFF  }
0xc3: {  	_ =	task.clear_ibuf [dreg:s7], $0x2FFFF;
	_ =	strace $0x9FFFFFFF  }
0xc4: {  	(tm) =	ssettm $0x7FFFFFFF  }
0xc5: {  	_ =	shalt  }
tec
execute0_lowered:
.L_overlay_start_1:
0x0: {  	(tag) =	ssettag $0x1  }
0x1: {  	s5 =	rddreg [dreg:$0x0]  }
0x2: {  	s8 =	rddreg [dreg:$0x1]  }
0x3: {  	s2 =	rddreg [dreg:$0x2]  }
0x4: {  	s3 =	rddreg [dreg:$0x3]  }
0x5: {  	s1 =	stileid.u32;
	s4 =	srdreg.scid  }
0x6: {  	s0 =	rddreg [dreg:$0x4];
	s15 =	simm.s32 $0x2;
	s16 =	simm.s32 $0x80  }
0x7: {  	s17 =	simm.s32 $0x5000;
	s18 =	simm.s32 $0x6400;
	s19 =	simm.s32 $0x3  }
0x8: {  	s20 =	simm.s32 $0x2780;
	s21 =	simm.s32 $0x4F00;
	s22 =	simm.s32 $0x4F80  }
0x9: {  	s24 =	simm.s32 $0x0;
	s7 =	smul.u32 $0x6400, s1;
	s6 =	sand.u32 $0x1, s4  }
0xa: {  	s4 =	simm.s32 $0x0;
	s10 =	smul.u32 $0xC80, s1;
	s23 =	sshll.u32 s1, $0x6  }
0xb: {  	s9 =	sshll.u32 s6, $0x4;
	[smem:$0x7FF] =	sst s4;
	s11 =	smul.u32 $0xC800, s6  }
0xc: {  	s6 =	ssub.s32 $0x2, s6;
	s9 =	sor.u32 s1, s9;
	_ =	strace $0x8000004A  }
0xd: {  	s12 =	sshrl.u32 s7, $0x3;
	s30 =	sshrl.u32 s6, $0x1;
	s14 =	sadd.s32 s7, s2  }
0xe: {  	s31 =	sadd.s32 s7, s3;
	s9 =	smul.u32 $0x500, s9;
	s12 =	sadd.s32 s12, s5  }
0xf: {  	s10 =	sadd.s32 s10, s11;
	s13 =	ssub.s32 s6, s30;
	s6 =	sor.u32 $0x1C01, s23  }
0x10: {  	s11 =	sshrl.u32 s14, $0x3;
	s14 =	simm.s32 $0x1;
	s23 =	sor.u32 $0x1C03, s23  }
0x11: {  	s10 =	sadd.s32 s10, s5;
	s29 =	sadd.s32 s9, s5;
	s5 =	sadd.s32 $0x15800, s12  }
0x12: {  	s8 =	sadd.s32 s8, s9;
	s9 =	sadd.s32 $0x22000, s10;
	s10 =	smax.u32 s13, $0x1  }
0x13: {  	s12 =	sshrl.u32 s31, $0x3;
	s13 =	simm.s32 $0x2800;
	s7 =	sadd.s32 $0xB800, s29  }
.LBB2_1:
0x14: {  	[spmem:s11], [sflag:s6] =	dma.local [hbm:s5], $0xC80  }
0x15: {  	[spmem:s12], [sflag:s6] =	dma.local [hbm:s5], $0xC80  }
0x16: {  	[tilespmem:s4], [sflag:$0x2] =	stream.linear.gather [hbm4b:s7+s4], $0x2800, $0x38;
	[tilespmem:$0x14000] =	vst v63  }
0x17: {  	_ = 	snop  }
0x18: {  	[tilespmem:s13], [sflag:$0x2] =	stream.linear.gather [hbm4b:s8+s4], $0x2800, $0x38;
	[tilespmem:$0x14000] =	vst v63  }
0x19: {  	_ =	swait.ge [sflag:s14], $0xC80  }
0x1a: {  	[sflag:s14] =	ssyncset.done $0x0  }
0x1b: {  	[sflag:s14] =	ssyncadd.s32 $0xFFFFF380  }
0x1c: {  	_ =	swait.ge [sflag:s14], $0xC80  }
0x1d: {  	[sflag:s14] =	ssyncset.done $0x0  }
0x1e: {  	[sflag:s14] =	ssyncadd.s32 $0xFFFFF380  }
0x1f: {  	_ =	swait.ge [sflag:s15], $0x2800  }
0x20: {  	[sflag:s15] =	ssyncset.done $0x0  }
0x21: {  	[sflag:s15] =	ssyncadd.s32 $0xFFFFD800  }
0x22: {  	_ =	swait.ge [sflag:s15], $0x2800  }
0x23: {  	[sflag:s15] =	ssyncset.done $0x0  }
0x24: {  	[sflag:s15] =	ssyncadd.s32 $0xFFFFD800  }
0x25: {  	[bflag:$0x0] =	sbarrier.arrive $0xFFFF  }
0x26: {  	[tilespmem:s17], [sflag:$0x1] =	stream.indirect.gather [spmem:s2], $0x28, s4, s16, $0xb8;
	[tilespmem:$0x14000] =	vst v63  }
0x27: {  	s25 =	simm.s32 $0x80  }
0x28: {  	[tilespmem:s18], [sflag:$0x2] =	stream.indirect.gather [spmem:s2], $0x28, s25, s16, $0xb8;
	[tilespmem:$0x14000] =	vst v63  }
0x29: {  	_ =	swait.ge [sflag:s14], $0x1400  }
0x2a: {  	[sflag:s14] =	ssyncset.done $0x0  }
0x2b: {  	s29 =	simm.s32 $0x2800;
	[sflag:s14] =	ssyncadd.s32 $0xFFFFEC00  }
0x2c: {  	[spmem:s3] =	stream.indirect.scatter.add.f32 [tilespmem:s17], [sflag:$0x3], $0x28, s29, s16, $0xb8;
	[tilespmem:$0x14000] =	vst v63  }
0x2d: {  	_ =	swait.ge [sflag:s19], $0x1400  }
0x2e: {  	[sflag:s19] =	ssyncset.done $0x0  }
0x2f: {  	s30 =	simm.s32 $0x100;
	[sflag:s19] =	ssyncadd.s32 $0xFFFFEC00  }
0x30: {  	[tilespmem:s17], [sflag:$0x1] =	stream.indirect.gather [spmem:s2], $0x28, s30, s16, $0xb8;
	[tilespmem:$0x14000] =	vst v63  }
0x31: {  	_ =	swait.ge [sflag:s15], $0x1400  }
0x32: {  	[sflag:s15] =	ssyncset.done $0x0  }
0x33: {  	s31 =	simm.s32 $0x2880;
	[sflag:s15] =	ssyncadd.s32 $0xFFFFEC00  }
0x34: {  	[spmem:s3] =	stream.indirect.scatter.add.f32 [tilespmem:s18], [sflag:$0x3], $0x28, s31, s16, $0xb8;
	[tilespmem:$0x14000] =	vst v63  }
0x35: {  	_ =	swait.ge [sflag:s19], $0x1400  }
0x36: {  	s26 =	simm.s32 $0x800;
	s25 =	simm.s32 $0x100;
	[sflag:s19] =	ssyncset.done $0x0  }
.LBB2_2:
0x37: {  	s28 =	sadd.s32 $0x80, s25  }
0x38: {  	[sflag:s19] =	ssyncadd.s32 $0xFFFFEC00;
	s29 =	smov.u32 s26;
	s30 =	sadd.s32 $0x400, s26  }
0x39: {  	[tilespmem:s18], [sflag:$0x2] =	stream.indirect.gather [spmem:s2], $0x28, s28, s16, $0xb8;
	[tilespmem:$0x14000] =	vst v63  }
0x3a: {  	p0 =	sne.s32 s26, $0x9800;
	_ =	swait.ge [sflag:s14], $0x1400  }
0x3b: {  	[sflag:s14] =	ssyncset.done $0x0  }
0x3c: {  	s26 =	sadd.s32 $0x2800, s25;
	[sflag:s14] =	ssyncadd.s32 $0xFFFFEC00  }
0x3d: {  	[spmem:s3] =	stream.indirect.scatter.add.f32 [tilespmem:s17], [sflag:$0x3], $0x28, s26, s16, $0xb8;
	[tilespmem:$0x14000] =	vst v63  }
0x3e: {  	_ =	swait.ge [sflag:s19], $0x1400  }
0x3f: {  	[sflag:s19] =	ssyncset.done $0x0  }
0x40: {  	s26 =	sadd.s32 $0x100, s25;
	[sflag:s19] =	ssyncadd.s32 $0xFFFFEC00  }
0x41: {  	[tilespmem:s17], [sflag:$0x1] =	stream.indirect.gather [spmem:s2], $0x28, s26, s16, $0xb8;
	[tilespmem:$0x14000] =	vst v63  }
0x42: {  	_ =	swait.ge [sflag:s15], $0x1400  }
.Ltmp0:
0x43: {  	[sflag:s15] =	ssyncset.done $0x0;
	(pc) =	sbr.rel @p0 .LBB2_2-.Ltmp0, $4  }
0x44: {  	s25 =	sadd.s32 $0x2880, s25;
	[sflag:s15] =	ssyncadd.s32 $0xFFFFEC00  }
0x45: {  	[spmem:s3] =	stream.indirect.scatter.add.f32 [tilespmem:s18], [sflag:$0x3], $0x28, s25, s16, $0xb8;
	[tilespmem:$0x14000] =	vst v63  }
0x46: {  	_ =	swait.ge [sflag:s19], $0x1400  }
0x47: {  	s26 =	smov.u32 s30;
	s25 =	sshra.s32 s29, $0x2;
	[sflag:s19] =	ssyncset.done $0x0  }
0x48: {  	s26 =	sadd.s32 $0x80, s25;
	[sflag:s19] =	ssyncadd.s32 $0xFFFFEC00  }
0x49: {  	[tilespmem:s18], [sflag:$0x2] =	stream.indirect.gather [spmem:s2], $0x28, s26, s16, $0xb8;
	[tilespmem:$0x14000] =	vst v63  }
0x4a: {  	_ =	swait.ge [sflag:s14], $0x1400  }
0x4b: {  	[sflag:s14] =	ssyncset.done $0x0  }
0x4c: {  	s29 =	sadd.s32 $0x2800, s25;
	[sflag:s14] =	ssyncadd.s32 $0xFFFFEC00  }
0x4d: {  	[spmem:s3] =	stream.indirect.scatter.add.f32 [tilespmem:s17], [sflag:$0x3], $0x28, s29, s16, $0xb8;
	[tilespmem:$0x14000] =	vst v63  }
0x4e: {  	_ =	swait.ge [sflag:s19], $0x1400  }
0x4f: {  	[sflag:s19] =	ssyncset.done $0x0  }
0x50: {  	s30 =	sadd.s32 $0x100, s25;
	[sflag:s19] =	ssyncadd.s32 $0xFFFFEC00  }
0x51: {  	[tilespmem:s17], [sflag:$0x1] =	stream.indirect.gather [spmem:s2], $0x28, s30, s16, $0xb8;
	[tilespmem:$0x14000] =	vst v63  }
0x52: {  	_ =	swait.ge [sflag:s15], $0x1400  }
0x53: {  	[sflag:s15] =	ssyncset.done $0x0  }
0x54: {  	s31 =	sadd.s32 $0x2880, s25;
	[sflag:s15] =	ssyncadd.s32 $0xFFFFEC00  }
0x55: {  	[spmem:s3] =	stream.indirect.scatter.add.f32 [tilespmem:s18], [sflag:$0x3], $0x28, s31, s16, $0xb8;
	[tilespmem:$0x14000] =	vst v63  }
0x56: {  	_ =	swait.ge [sflag:s19], $0x1400  }
0x57: {  	[sflag:s19] =	ssyncset.done $0x0  }
0x58: {  	[sflag:s19] =	ssyncadd.s32 $0xFFFFEC00  }
0x59: {  	[tilespmem:s18], [sflag:$0x2] =	stream.indirect.gather [spmem:s2], $0x28, s20, s16, $0xb8;
	[tilespmem:$0x14000] =	vst v63  }
0x5a: {  	_ =	swait.ge [sflag:s14], $0x1400  }
0x5b: {  	[sflag:s14] =	ssyncset.done $0x0  }
0x5c: {  	[sflag:s14] =	ssyncadd.s32 $0xFFFFEC00  }
0x5d: {  	[spmem:s3] =	stream.indirect.scatter.add.f32 [tilespmem:s17], [sflag:$0x3], $0x28, s21, s16, $0xb8;
	[tilespmem:$0x14000] =	vst v63  }
0x5e: {  	_ =	swait.ge [sflag:s19], $0x1400  }
0x5f: {  	[sflag:s19] =	ssyncset.done $0x0  }
0x60: {  	[sflag:s19] =	ssyncadd.s32 $0xFFFFEC00  }
0x61: {  	_ =	swait.ge [sflag:s15], $0x1400  }
0x62: {  	[sflag:s15] =	ssyncset.done $0x0  }
0x63: {  	[sflag:s15] =	ssyncadd.s32 $0xFFFFEC00  }
0x64: {  	[spmem:s3] =	stream.indirect.scatter.add.f32 [tilespmem:s18], [sflag:$0x3], $0x28, s22, s16, $0xb8;
	[tilespmem:$0x14000] =	vst v63  }
0x65: {  	_ =	swait.ge [sflag:s19], $0x1400  }
0x66: {  	s24 =	sadd.s32 $0x1, s24;
	[sflag:s19] =	ssyncset.done $0x0  }
0x67: {  	p0 =	sne.s32 s24, s10;
	[sflag:s19] =	ssyncadd.s32 $0xFFFFEC00  }
.Ltmp1:
0x68: {  	[bflag:$0x0] =	sbarrier.arrive $0xFFFF;
	(pc) =	sbr.rel @p0 .LBB2_1-.Ltmp1, $4  }
0x69: {  	[hbm:s9], [sflag:s23] =	dma.local [spmem:s12], $0xC80  }
0x6a: {  	_ =	swait.ge [sflag:s19], $0xC80  }
0x6b: {  	[sflag:s19] =	ssyncset.done $0x0  }
0x6c: {  	[sflag:s19] =	ssyncadd.s32 $0xFFFFF380  }
0x6d: {  	_ =	sfence.sel $0x180000  }
0x6e: {  	[bflag:$0x0] =	sbarrier.arrive $0xFFFF  }
0x6f: {  	p0 =	sne.s32 s1, $0x0;
	_ =	strace $0x9000004A  }
0x70: {  	s0 =	sadd.s32 @!p0 $0x100000, s0;
	[bflag:$0x2] =	sbarrier.arrive $0xFFFF  }
0x71: {  	[sflag:s0] =	ssyncadd.tile.s32 @!p0 $0x1;
	_ =	shalt  }
.Lfunc_end2:
_tile_overlayer_lowered:
.L_overlay_start_2:
0x72: {  	(tag) =	ssettag $0x2  }
0x73: {  	s0 =	rddreg [dreg:$0x0];
	s2 =	stileid.u32  }
0x74: {  	s1 =	rddreg [dreg:$0x1];
	p0 =	sne.s32 s2, $0x0  }
0x75: {  	s3 =	rddreg [dreg:$0x2];
	[bflag:$0x3] =	sbarrier.arrive $0xFFFF;
	s2 =	simm.s32 @!p0 $0x1C03  }
0x76: {  	[timem:s3], [sflag:s2] =	dma.local @!p0 [hbm:s0], s1  }
0x77: {  	s0 =	simm.s32 @!p0 $0x3  }
0x78: {  	_ =	swait.ge @!p0 [sflag:s0], s1  }
0x79: {  	s1 =	ssub.s32 @!p0 $0x0, s1;
	[sflag:s0] =	ssyncset.done @!p0 $0x0  }
0x7a: {  	[sflag:s0] =	ssyncadd.s32 @!p0 s1  }
0x7b: {  	[bflag:$0x3] =	sbarrier.arrive $0xFFFF  }
0x7c: {  	_ =	shalt  }

// kernel: kernel.14.cloned.1.call-start
scs
__scs_entry_jumppad:
0x0: {  	(pc) =	sbr.rel $0x88, $3  }
0x1: {  	(tag) =	ssettag $0x0;
	lr =	simm.s32 $0x1  }
0x2: {  	[smem:$0x3F9E] =	sst lr;
	_ =	strace $0xD0000000  }
0x3: {  	_ = 	snop  }
0x4: {  	_ = 	snop  }
0x5: {  	_ = 	snop  }
0x6: {  	_ = 	snop  }
0x7: {  	_ = 	snop  }
__scs_overlays_trampoline_lowered:
0x8: {  	[smem:$0x3FAD] =	sst s0  }
0x9: {  	[smem:$0x3FAE] =	sst s1  }
0xa: {  	[smem:$0x3FAF] =	sst s2  }
0xb: {  	[smem:$0x3FB0] =	sst s3  }
0xc: {  	[smem:$0x3FB1] =	sst s4  }
0xd: {  	[smem:$0x3FB2] =	sst s5  }
0xe: {  	[smem:$0x3FB3] =	sst s6  }
0xf: {  	[smem:$0x3FB4] =	sst s7  }
0x10: {  	[smem:$0x3FB5] =	sst s8  }
0x11: {  	[smem:$0x3FB6] =	sst s9;
	s0 =	simm.s32 @!p0 $0x0  }
0x12: {  	s1 =	sld [smem:$0x3F9C];
	s0 =	simm.s32 @p0 $0x1  }
0x13: {  	[smem:$0x3FB7] =	sst s0;
	s0 =	simm.s32 @!p1 $0x0  }
0x14: {  	s2 =	sld [smem:$0x3F9B];
	s0 =	simm.s32 @p1 $0x1  }
0x15: {  	[smem:$0x3FB8] =	sst s0;
	s0 =	simm.s32 @!p2 $0x0  }
0x16: {  	s3 =	sld [smem:$0x3FDB];
	s0 =	simm.s32 @p2 $0x1  }
0x17: {  	s4 =	simm.s32 $0x1BF5;
	[smem:$0x3FBA] =	sst s0  }
0x18: {  	s0 =	sld [smem:$0x3F9D];
	_ =	swait.ge [sflag:s4], $0x0  }
0x19: {  	s7 =	sld [smem:$0x3F9E]  }
0x1a: {  	s8 =	sadd.s32 $0xFFFFE003, lr  }
0x1b: {  	s9 =	sadd.s32 $0xFFFFFEF7, lr;
	s5 =	simm.s32 $0xFFFFFFFF;
	p2 =	slt.u32 s8, $0xFFFFF086  }
0x1c: {  	p1 =	slt.u32 s9, $0xF7A;
	s5 =	simm.s32 @!p2 $0x0  }
0x1d: {  	s5 =	simm.s32 @p1 $0x1;
	p0 =	seq.s32 s7, s2  }
0x1e: {  	s7 =	smul.u32 @!p0 $0xF7A, s2;
	p2 =	seq.s32 @!p0 s5, $0x0  }
0x1f: {  	s9 =	smul.u32 $0xF7A, s1;
	s8 =	simm.s32 @!p0 $0x1BF5;
	p2 =	por !p2, p0  }
0x20: {  	[sflag:s8] =	ssyncset.s32 @!p0 $0xFFFFF086;
	s6 =	sadd.s32 @!p0 s3, s7;
	s7 =	simm.s32 @!p0 $0x108  }
0x21: {  	s3 =	sadd.s32 s3, s9;
	s6 =	sadd.s32 @!p0 $0x88, s6;
	s7 =	simm.s32 @p2 $0x1082  }
0x22: {  	[simem:s7], [sflag:s8] =	dma.local @!p0 [hbm:s6], $0xF7A  }
0x23: {  	s9 =	sor.u32 $0xD0000000, s2;
	s6 =	simm.s32 $0x108;
	_ =	swait.ge @!p0 [sflag:s8], $0x0  }
0x24: {  	s3 =	sadd.s32 $0x88, s3;
	s6 =	simm.s32 @!p1 $0x1082;
	[sflag:s4] =	ssyncset.s32 $0xFFFFF086  }
0x25: {  	[simem:s6], [sflag:s4] =	dma.local [hbm:s3], $0xF7A  }
0x26: {  	[smem:$0x3F9E] =	sst s1;
	(tag) =	ssettag s2;
	_ =	strace s9  }
0x27: {  	s1 =	sld [smem:$0x3FAE]  }
0x28: {  	s2 =	sld [smem:$0x3FAF]  }
0x29: {  	s4 =	sld [smem:$0x3FB1]  }
0x2a: {  	p0 =	seq.s32 s5, $0x0;
	s5 =	sld [smem:$0x3FB2]  }
0x2b: {  	s6 =	sld [smem:$0x3FB3]  }
0x2c: {  	s7 =	sld [smem:$0x3FB4]  }
0x2d: {  	s3 =	simm.s32 $0x108;
	s8 =	sld [smem:$0x3FB5]  }
0x2e: {  	s3 =	simm.s32 @!p0 $0x1082;
	s9 =	sld [smem:$0x3FB6]  }
0x2f: {  	lr =	sadd.s32 s0, s3;
	s0 =	sld [smem:$0x3FAD]  }
0x30: {  	s3 =	sld [smem:$0x3FB0]  }
0x31: {  	[smem:$0x3FB9] =	sst s10  }
0x32: {  	s10 =	sld [smem:$0x3FB7];
	_ =	sdelay $0x3  }
0x33: {  	p0 =	seq.s32 s10, $0x1;
	s10 =	sld [smem:$0x3FB9];
	_ =	sdelay $0x3  }
0x34: {  	[smem:$0x3FB9] =	sst s10  }
0x35: {  	s10 =	sld [smem:$0x3FB8];
	_ =	sdelay $0x3  }
0x36: {  	p1 =	seq.s32 s10, $0x1;
	s10 =	sld [smem:$0x3FB9];
	_ =	sdelay $0x3  }
0x37: {  	[smem:$0x3FB9] =	sst s10  }
0x38: {  	s10 =	sld [smem:$0x3FBA]  }
0x39: {  	_ = 	snop;
	(pc) =	sbr.ind lr, $3  }
0x3a: {  	_ = 	snop  }
0x3b: {  	_ = 	snop  }
0x3c: {  	p2 =	seq.s32 s10, $0x1;
	s10 =	sld [smem:$0x3FB9]  }
0x3d: {  	_ =	shalt  }
0x3e: {  	_ =	shalt  }
0x3f: {  	_ =	shalt  }
0x40: {  	_ =	shalt  }
0x41: {  	_ =	shalt  }
0x42: {  	_ =	shalt  }
0x43: {  	_ =	shalt  }
0x44: {  	_ =	shalt  }
0x45: {  	_ =	shalt  }
0x46: {  	_ =	shalt  }
0x47: {  	_ =	shalt  }
0x48: {  	_ =	shalt  }
0x49: {  	_ =	shalt  }
0x4a: {  	_ =	shalt  }
0x4b: {  	_ =	shalt  }
0x4c: {  	_ =	shalt  }
0x4d: {  	_ =	shalt  }
0x4e: {  	_ =	shalt  }
0x4f: {  	_ =	shalt  }
0x50: {  	_ =	shalt  }
0x51: {  	_ =	shalt  }
0x52: {  	_ =	shalt  }
0x53: {  	_ =	shalt  }
0x54: {  	_ =	shalt  }
0x55: {  	_ =	shalt  }
0x56: {  	_ =	shalt  }
0x57: {  	_ =	shalt  }
0x58: {  	_ =	shalt  }
0x59: {  	_ =	shalt  }
0x5a: {  	_ =	shalt  }
0x5b: {  	_ =	shalt  }
0x5c: {  	_ =	shalt  }
0x5d: {  	_ =	shalt  }
0x5e: {  	_ =	shalt  }
0x5f: {  	_ =	shalt  }
0x60: {  	_ =	shalt  }
0x61: {  	_ =	shalt  }
0x62: {  	_ =	shalt  }
0x63: {  	_ =	shalt  }
0x64: {  	_ =	shalt  }
0x65: {  	_ =	shalt  }
0x66: {  	_ =	shalt  }
0x67: {  	_ =	shalt  }
0x68: {  	_ =	shalt  }
0x69: {  	_ =	shalt  }
0x6a: {  	_ =	shalt  }
0x6b: {  	_ =	shalt  }
0x6c: {  	_ =	shalt  }
0x6d: {  	_ =	shalt  }
0x6e: {  	_ =	shalt  }
0x6f: {  	_ =	shalt  }
0x70: {  	_ =	shalt  }
0x71: {  	_ =	shalt  }
0x72: {  	_ =	shalt  }
0x73: {  	_ =	shalt  }
0x74: {  	_ =	shalt  }
0x75: {  	_ =	shalt  }
0x76: {  	_ =	shalt  }
0x77: {  	_ =	shalt  }
0x78: {  	_ =	shalt  }
0x79: {  	_ =	shalt  }
0x7a: {  	_ =	shalt  }
0x7b: {  	_ =	shalt  }
0x7c: {  	_ =	shalt  }
0x7d: {  	_ =	shalt  }
0x7e: {  	_ =	shalt  }
0x7f: {  	_ =	shalt  }
0x80: {  	_ =	shalt  }
0x81: {  	_ =	shalt  }
0x82: {  	_ =	shalt  }
0x83: {  	_ =	shalt  }
0x84: {  	_ =	shalt  }
0x85: {  	_ =	shalt  }
0x86: {  	_ =	shalt  }
0x87: {  	_ =	shalt  }
.Lfunc_end0:
.L_simem_size_0:
called_computation.2_lowered:
.L_overlay_start_0:
0x88: {  	s2 =	sld [smem:$0x3FD9]  }
0x89: {  	s3 =	sld [smem:$0x3FFE];
	_ =	sdelay $0x1  }
0x8a: {  	s1 =	srdreg.scid  }
0x8b: {  	s0 =	sand.u32 $0x1, s1  }
0x8c: {  	s17 =	sshll.u32 s0, $0xA;
	s2 =	sadd.s32 s3, s2  }
0x8d: {  	s2 =	sadd.s32 s2, s17  }
0x8e: {  	[smem:$0x3FC5] =	sst s2  }
0x8f: {  	_ = 	snop  }
0x90: {  	s2 =	sld [smem:$0x3FD0];
	(tm) =	ssettm $0x1  }
0x91: {  	s18 =	sld [smem:$0x3FFB];
	_ =	sdelay $0x3  }
0x92: {  	_ =	strace s18  }
0x93: {  	s3 =	sld [smem:$0x3FFC];
	_ =	sdelay $0x3  }
0x94: {  	_ =	strace s3  }
0x95: {  	s3 =	sld [smem:$0x3FFD];
	_ =	sdelay $0x3  }
0x96: {  	_ =	strace s3  }
0x97: {  	_ =	strace $0x8FFFFFFF  }
0x98: {  	s19 =	sld [smem:$0x3FDB];
	_ =	sdelay $0x1  }
0x99: {  	s4 =	simm.s32 $_scs_section_size  }
0x9a: {  	s5 =	simm.s32 $_size__tile_overlayer_lowered;
	s6 =	simm.s32 $_tile_overlayer_lowered  }
0x9b: {  	s22 =	simm.s32 $0x1BFF;
	s21 =	sshll.u32 s6, $0x1;
	s3 =	sadd.s32 s4, s19  }
0x9c: {  	s7 =	simm.s32 $0x0;
	s20 =	sshll.u32 s5, $0x1;
	s5 =	sadd.s32 s21, s3  }
0x9d: {  	[timem:s7], [sflag:s22] =	dma.local [hbm:s5], s20  }
0x9e: {  	_ =	swait.ge [sflag:s22], s20  }
0x9f: {  	s4 =	ssub.s32 $0x0, s20;
	[sflag:s22] =	ssyncset.done $0x0  }
0xa0: {  	[sflag:s22] =	ssyncadd.s32 s4;
	_ =	sdelay $0x1  }
0xa1: {  	s23 =	simm.s32 $0x1B8B  }
0xa2: {  	_ =	swait.ge [sflag:s23], $0x1  }
0xa3: {  	[sflag:s23] =	ssyncset.done $0x0  }
0xa4: {  	s25 =	simm.s32 $0x1B8E;
	s24 =	sld [smem:$0x3FFE];
	[sflag:s23] =	ssyncadd.s32 $0xFFFFFFFF  }
0xa5: {  	s26 =	simm.s32 $execute0_lowered;
	[smem:$0x3FD2] =	sst s25  }
0xa6: {  	s5 =	sshll.u32 s26, $0x1;
	_ =	strace $0x8000004C;
	[dreg:$0x1] =	wrdreg $0xFFFFFFFF  }
0xa7: {  	s28 =	simm.s32 $_size_execute0_lowered;
	s3 =	sadd.s32 s3, s5;
	[dreg:$0x0] =	wrdreg $0x0  }
0xa8: {  	s5 =	sshll.u32 s28, $0x1;
	[dreg:$0x2] =	wrdreg s3  }
0xa9: {  	[dreg:$0x3] =	wrdreg s5  }
0xaa: {  	[dreg:$0x4] =	wrdreg $0xC0  }
0xab: {  	_ =	task [dreg:s7], $0x5FFFF  }
0xac: {  	[dreg:$0x1] =	wrdreg $0xFFFFFFFF  }
0xad: {  	[dreg:$0x0] =	wrdreg $0x60  }
0xae: {  	[dreg:$0x2] =	wrdreg s24  }
0xaf: {  	[dreg:$0x3] =	wrdreg s2  }
0xb0: {  	[dreg:$0x4] =	wrdreg $0x78000  }
0xb1: {  	[dreg:$0x5] =	wrdreg $0xDC000  }
0xb2: {  	[dreg:$0x6] =	wrdreg $0x9  }
0xb3: {  	_ =	task.clear_ibuf [dreg:s7], $0x7FFFF;
	_ =	strace $0x9000004C  }
0xb4: {  	s29 =	simm.s32 $0x9;
	_ =	strace $0x8000004E  }
0xb5: {  	_ =	swait.ge [sflag:s29], $0x1  }
0xb6: {  	[sflag:s29] =	ssyncadd.s32 $0xFFFFFFFF  }
0xb7: {  	_ =	strace $0x9000004E  }
0xb8: {  	_ =	sfence  }
0xb9: {  	s30 =	sld [smem:$0x0];
	_ =	sdelay $0x2  }
0xba: {  	s31 =	sshll.u32 s1, $0xD;
	s1 =	sshrl.u32 s1, $0x2  }
0xbb: {  	s3 =	sand.u32 $0x4000, s31;
	s1 =	sadd.s32 s1, s30  }
0xbc: {  	s0 =	sor.u32 s3, s0;
	s1 =	sshll.u32 s1, $0x11  }
0xbd: {  	s0 =	sor.u32 s1, s0  }
0xbe: {  	s0 =	sadd.s32 $0x8F2B, s0  }
0xbf: {  	[sflag:s0] =	ssyncadd.remote.s32 $0x1  }
0xc0: {  	_ =	sfence.sel $0xFFFF  }
0xc1: {  	[dreg:$0x0] =	wrdreg $0xFFFFFFFF;
	(pc) =	sbr.abs _section_cstart, $3  }
0xc2: {  	[dreg:$0x1] =	wrdreg $0xFFFFFFFF  }
0xc3: {  	_ =	task.clear_ibuf [dreg:s7], $0x2FFFF;
	_ =	strace $0x9FFFFFFF  }
0xc4: {  	(tm) =	ssettm $0x7FFFFFFF  }
0xc5: {  	_ =	shalt  }
tec
execute0_lowered:
.L_overlay_start_1:
0x0: {  	(tag) =	ssettag $0x1  }
0x1: {  	s5 =	rddreg [dreg:$0x0]  }
0x2: {  	s8 =	rddreg [dreg:$0x1]  }
0x3: {  	s2 =	rddreg [dreg:$0x2]  }
0x4: {  	s3 =	rddreg [dreg:$0x3]  }
0x5: {  	s1 =	stileid.u32;
	s4 =	srdreg.scid  }
0x6: {  	s0 =	rddreg [dreg:$0x4];
	s15 =	simm.s32 $0x2;
	s16 =	simm.s32 $0x80  }
0x7: {  	s17 =	simm.s32 $0x5000;
	s18 =	simm.s32 $0x6400;
	s19 =	simm.s32 $0x3  }
0x8: {  	s20 =	simm.s32 $0x2780;
	s21 =	simm.s32 $0x4F00;
	s22 =	simm.s32 $0x4F80  }
0x9: {  	s24 =	simm.s32 $0x0;
	s7 =	smul.u32 $0x6400, s1;
	s6 =	sand.u32 $0x1, s4  }
0xa: {  	s4 =	simm.s32 $0x0;
	s10 =	smul.u32 $0xC80, s1;
	s23 =	sshll.u32 s1, $0x6  }
0xb: {  	s9 =	sshll.u32 s6, $0x4;
	[smem:$0x7FF] =	sst s4;
	s11 =	smul.u32 $0xC800, s6  }
0xc: {  	s6 =	ssub.s32 $0x2, s6;
	s9 =	sor.u32 s1, s9;
	_ =	strace $0x8000004D  }
0xd: {  	s12 =	sshrl.u32 s7, $0x3;
	s30 =	sshrl.u32 s6, $0x1;
	s14 =	sadd.s32 s7, s2  }
0xe: {  	s31 =	sadd.s32 s7, s3;
	s9 =	smul.u32 $0x500, s9;
	s12 =	sadd.s32 s12, s5  }
0xf: {  	s10 =	sadd.s32 s10, s11;
	s13 =	ssub.s32 s6, s30;
	s6 =	sor.u32 $0x1C01, s23  }
0x10: {  	s11 =	sshrl.u32 s14, $0x3;
	s14 =	simm.s32 $0x1;
	s23 =	sor.u32 $0x1C03, s23  }
0x11: {  	s10 =	sadd.s32 s10, s5;
	s29 =	sadd.s32 s9, s5;
	s5 =	sadd.s32 $0x15800, s12  }
0x12: {  	s8 =	sadd.s32 s8, s9;
	s9 =	sadd.s32 $0x22000, s10;
	s10 =	smax.u32 s13, $0x1  }
0x13: {  	s12 =	sshrl.u32 s31, $0x3;
	s13 =	simm.s32 $0x2800;
	s7 =	sadd.s32 $0xB800, s29  }
.LBB2_1:
0x14: {  	[spmem:s11], [sflag:s6] =	dma.local [hbm:s5], $0xC80  }
0x15: {  	[spmem:s12], [sflag:s6] =	dma.local [hbm:s5], $0xC80  }
0x16: {  	[tilespmem:s4], [sflag:$0x2] =	stream.linear.gather [hbm4b:s7+s4], $0x2800, $0x38;
	[tilespmem:$0x14000] =	vst v63  }
0x17: {  	_ = 	snop  }
0x18: {  	[tilespmem:s13], [sflag:$0x2] =	stream.linear.gather [hbm4b:s8+s4], $0x2800, $0x38;
	[tilespmem:$0x14000] =	vst v63  }
0x19: {  	_ =	swait.ge [sflag:s14], $0xC80  }
0x1a: {  	[sflag:s14] =	ssyncset.done $0x0  }
0x1b: {  	[sflag:s14] =	ssyncadd.s32 $0xFFFFF380  }
0x1c: {  	_ =	swait.ge [sflag:s14], $0xC80  }
0x1d: {  	[sflag:s14] =	ssyncset.done $0x0  }
0x1e: {  	[sflag:s14] =	ssyncadd.s32 $0xFFFFF380  }
0x1f: {  	_ =	swait.ge [sflag:s15], $0x2800  }
0x20: {  	[sflag:s15] =	ssyncset.done $0x0  }
0x21: {  	[sflag:s15] =	ssyncadd.s32 $0xFFFFD800  }
0x22: {  	_ =	swait.ge [sflag:s15], $0x2800  }
0x23: {  	[sflag:s15] =	ssyncset.done $0x0  }
0x24: {  	[sflag:s15] =	ssyncadd.s32 $0xFFFFD800  }
0x25: {  	[bflag:$0x0] =	sbarrier.arrive $0xFFFF  }
0x26: {  	[tilespmem:s17], [sflag:$0x1] =	stream.indirect.gather [spmem:s2], $0x28, s4, s16, $0xb8;
	[tilespmem:$0x14000] =	vst v63  }
0x27: {  	s25 =	simm.s32 $0x80  }
0x28: {  	[tilespmem:s18], [sflag:$0x2] =	stream.indirect.gather [spmem:s2], $0x28, s25, s16, $0xb8;
	[tilespmem:$0x14000] =	vst v63  }
0x29: {  	_ =	swait.ge [sflag:s14], $0x1400  }
0x2a: {  	[sflag:s14] =	ssyncset.done $0x0  }
0x2b: {  	s29 =	simm.s32 $0x2800;
	[sflag:s14] =	ssyncadd.s32 $0xFFFFEC00  }
0x2c: {  	[spmem:s3] =	stream.indirect.scatter.add.f32 [tilespmem:s17], [sflag:$0x3], $0x28, s29, s16, $0xb8;
	[tilespmem:$0x14000] =	vst v63  }
0x2d: {  	_ =	swait.ge [sflag:s19], $0x1400  }
0x2e: {  	[sflag:s19] =	ssyncset.done $0x0  }
0x2f: {  	s30 =	simm.s32 $0x100;
	[sflag:s19] =	ssyncadd.s32 $0xFFFFEC00  }
0x30: {  	[tilespmem:s17], [sflag:$0x1] =	stream.indirect.gather [spmem:s2], $0x28, s30, s16, $0xb8;
	[tilespmem:$0x14000] =	vst v63  }
0x31: {  	_ =	swait.ge [sflag:s15], $0x1400  }
0x32: {  	[sflag:s15] =	ssyncset.done $0x0  }
0x33: {  	s31 =	simm.s32 $0x2880;
	[sflag:s15] =	ssyncadd.s32 $0xFFFFEC00  }
0x34: {  	[spmem:s3] =	stream.indirect.scatter.add.f32 [tilespmem:s18], [sflag:$0x3], $0x28, s31, s16, $0xb8;
	[tilespmem:$0x14000] =	vst v63  }
0x35: {  	_ =	swait.ge [sflag:s19], $0x1400  }
0x36: {  	s26 =	simm.s32 $0x800;
	s25 =	simm.s32 $0x100;
	[sflag:s19] =	ssyncset.done $0x0  }
.LBB2_2:
0x37: {  	s28 =	sadd.s32 $0x80, s25  }
0x38: {  	[sflag:s19] =	ssyncadd.s32 $0xFFFFEC00;
	s29 =	smov.u32 s26;
	s30 =	sadd.s32 $0x400, s26  }
0x39: {  	[tilespmem:s18], [sflag:$0x2] =	stream.indirect.gather [spmem:s2], $0x28, s28, s16, $0xb8;
	[tilespmem:$0x14000] =	vst v63  }
0x3a: {  	p0 =	sne.s32 s26, $0x9800;
	_ =	swait.ge [sflag:s14], $0x1400  }
0x3b: {  	[sflag:s14] =	ssyncset.done $0x0  }
0x3c: {  	s26 =	sadd.s32 $0x2800, s25;
	[sflag:s14] =	ssyncadd.s32 $0xFFFFEC00  }
0x3d: {  	[spmem:s3] =	stream.indirect.scatter.add.f32 [tilespmem:s17], [sflag:$0x3], $0x28, s26, s16, $0xb8;
	[tilespmem:$0x14000] =	vst v63  }
0x3e: {  	_ =	swait.ge [sflag:s19], $0x1400  }
0x3f: {  	[sflag:s19] =	ssyncset.done $0x0  }
0x40: {  	s26 =	sadd.s32 $0x100, s25;
	[sflag:s19] =	ssyncadd.s32 $0xFFFFEC00  }
0x41: {  	[tilespmem:s17], [sflag:$0x1] =	stream.indirect.gather [spmem:s2], $0x28, s26, s16, $0xb8;
	[tilespmem:$0x14000] =	vst v63  }
0x42: {  	_ =	swait.ge [sflag:s15], $0x1400  }
.Ltmp0:
0x43: {  	[sflag:s15] =	ssyncset.done $0x0;
	(pc) =	sbr.rel @p0 .LBB2_2-.Ltmp0, $4  }
0x44: {  	s25 =	sadd.s32 $0x2880, s25;
	[sflag:s15] =	ssyncadd.s32 $0xFFFFEC00  }
0x45: {  	[spmem:s3] =	stream.indirect.scatter.add.f32 [tilespmem:s18], [sflag:$0x3], $0x28, s25, s16, $0xb8;
	[tilespmem:$0x14000] =	vst v63  }
0x46: {  	_ =	swait.ge [sflag:s19], $0x1400  }
0x47: {  	s26 =	smov.u32 s30;
	s25 =	sshra.s32 s29, $0x2;
	[sflag:s19] =	ssyncset.done $0x0  }
0x48: {  	s26 =	sadd.s32 $0x80, s25;
	[sflag:s19] =	ssyncadd.s32 $0xFFFFEC00  }
0x49: {  	[tilespmem:s18], [sflag:$0x2] =	stream.indirect.gather [spmem:s2], $0x28, s26, s16, $0xb8;
	[tilespmem:$0x14000] =	vst v63  }
0x4a: {  	_ =	swait.ge [sflag:s14], $0x1400  }
0x4b: {  	[sflag:s14] =	ssyncset.done $0x0  }
0x4c: {  	s29 =	sadd.s32 $0x2800, s25;
	[sflag:s14] =	ssyncadd.s32 $0xFFFFEC00  }
0x4d: {  	[spmem:s3] =	stream.indirect.scatter.add.f32 [tilespmem:s17], [sflag:$0x3], $0x28, s29, s16, $0xb8;
	[tilespmem:$0x14000] =	vst v63  }
0x4e: {  	_ =	swait.ge [sflag:s19], $0x1400  }
0x4f: {  	[sflag:s19] =	ssyncset.done $0x0  }
0x50: {  	s30 =	sadd.s32 $0x100, s25;
	[sflag:s19] =	ssyncadd.s32 $0xFFFFEC00  }
0x51: {  	[tilespmem:s17], [sflag:$0x1] =	stream.indirect.gather [spmem:s2], $0x28, s30, s16, $0xb8;
	[tilespmem:$0x14000] =	vst v63  }
0x52: {  	_ =	swait.ge [sflag:s15], $0x1400  }
0x53: {  	[sflag:s15] =	ssyncset.done $0x0  }
0x54: {  	s31 =	sadd.s32 $0x2880, s25;
	[sflag:s15] =	ssyncadd.s32 $0xFFFFEC00  }
0x55: {  	[spmem:s3] =	stream.indirect.scatter.add.f32 [tilespmem:s18], [sflag:$0x3], $0x28, s31, s16, $0xb8;
	[tilespmem:$0x14000] =	vst v63  }
0x56: {  	_ =	swait.ge [sflag:s19], $0x1400  }
0x57: {  	[sflag:s19] =	ssyncset.done $0x0  }
0x58: {  	[sflag:s19] =	ssyncadd.s32 $0xFFFFEC00  }
0x59: {  	[tilespmem:s18], [sflag:$0x2] =	stream.indirect.gather [spmem:s2], $0x28, s20, s16, $0xb8;
	[tilespmem:$0x14000] =	vst v63  }
0x5a: {  	_ =	swait.ge [sflag:s14], $0x1400  }
0x5b: {  	[sflag:s14] =	ssyncset.done $0x0  }
0x5c: {  	[sflag:s14] =	ssyncadd.s32 $0xFFFFEC00  }
0x5d: {  	[spmem:s3] =	stream.indirect.scatter.add.f32 [tilespmem:s17], [sflag:$0x3], $0x28, s21, s16, $0xb8;
	[tilespmem:$0x14000] =	vst v63  }
0x5e: {  	_ =	swait.ge [sflag:s19], $0x1400  }
0x5f: {  	[sflag:s19] =	ssyncset.done $0x0  }
0x60: {  	[sflag:s19] =	ssyncadd.s32 $0xFFFFEC00  }
0x61: {  	_ =	swait.ge [sflag:s15], $0x1400  }
0x62: {  	[sflag:s15] =	ssyncset.done $0x0  }
0x63: {  	[sflag:s15] =	ssyncadd.s32 $0xFFFFEC00  }
0x64: {  	[spmem:s3] =	stream.indirect.scatter.add.f32 [tilespmem:s18], [sflag:$0x3], $0x28, s22, s16, $0xb8;
	[tilespmem:$0x14000] =	vst v63  }
0x65: {  	_ =	swait.ge [sflag:s19], $0x1400  }
0x66: {  	s24 =	sadd.s32 $0x1, s24;
	[sflag:s19] =	ssyncset.done $0x0  }
0x67: {  	p0 =	sne.s32 s24, s10;
	[sflag:s19] =	ssyncadd.s32 $0xFFFFEC00  }
.Ltmp1:
0x68: {  	[bflag:$0x0] =	sbarrier.arrive $0xFFFF;
	(pc) =	sbr.rel @p0 .LBB2_1-.Ltmp1, $4  }
0x69: {  	[hbm:s9], [sflag:s23] =	dma.local [spmem:s12], $0xC80  }
0x6a: {  	_ =	swait.ge [sflag:s19], $0xC80  }
0x6b: {  	[sflag:s19] =	ssyncset.done $0x0  }
0x6c: {  	[sflag:s19] =	ssyncadd.s32 $0xFFFFF380  }
0x6d: {  	_ =	sfence.sel $0x180000  }
0x6e: {  	[bflag:$0x0] =	sbarrier.arrive $0xFFFF  }
0x6f: {  	p0 =	sne.s32 s1, $0x0;
	_ =	strace $0x9000004D  }
0x70: {  	s0 =	sadd.s32 @!p0 $0x100000, s0;
	[bflag:$0x2] =	sbarrier.arrive $0xFFFF  }
0x71: {  	[sflag:s0] =	ssyncadd.tile.s32 @!p0 $0x1;
	_ =	shalt  }
.Lfunc_end2:
_tile_overlayer_lowered:
.L_overlay_start_2:
0x72: {  	(tag) =	ssettag $0x2  }
0x73: {  	s0 =	rddreg [dreg:$0x0];
	s2 =	stileid.u32  }
0x74: {  	s1 =	rddreg [dreg:$0x1];
	p0 =	sne.s32 s2, $0x0  }
0x75: {  	s3 =	rddreg [dreg:$0x2];
	[bflag:$0x3] =	sbarrier.arrive $0xFFFF;
	s2 =	simm.s32 @!p0 $0x1C03  }
0x76: {  	[timem:s3], [sflag:s2] =	dma.local @!p0 [hbm:s0], s1  }
0x77: {  	s0 =	simm.s32 @!p0 $0x3  }
0x78: {  	_ =	swait.ge @!p0 [sflag:s0], s1  }
0x79: {  	s1 =	ssub.s32 @!p0 $0x0, s1;
	[sflag:s0] =	ssyncset.done @!p0 $0x0  }
0x7a: {  	[sflag:s0] =	ssyncadd.s32 @!p0 s1  }
0x7b: {  	[bflag:$0x3] =	sbarrier.arrive $0xFFFF  }
0x7c: {  	_ =	shalt  }

// kernel: kernel.8.cloned.1.call-start
scs
__scs_entry_jumppad:
0x0: {  	(pc) =	sbr.rel $0x88, $3  }
0x1: {  	(tag) =	ssettag $0x0;
	lr =	simm.s32 $0x1  }
0x2: {  	[smem:$0x3F9E] =	sst lr;
	_ =	strace $0xD0000000  }
0x3: {  	_ = 	snop  }
0x4: {  	_ = 	snop  }
0x5: {  	_ = 	snop  }
0x6: {  	_ = 	snop  }
0x7: {  	_ = 	snop  }
__scs_overlays_trampoline_lowered:
0x8: {  	[smem:$0x3FAD] =	sst s0  }
0x9: {  	[smem:$0x3FAE] =	sst s1  }
0xa: {  	[smem:$0x3FAF] =	sst s2  }
0xb: {  	[smem:$0x3FB0] =	sst s3  }
0xc: {  	[smem:$0x3FB1] =	sst s4  }
0xd: {  	[smem:$0x3FB2] =	sst s5  }
0xe: {  	[smem:$0x3FB3] =	sst s6  }
0xf: {  	[smem:$0x3FB4] =	sst s7  }
0x10: {  	[smem:$0x3FB5] =	sst s8  }
0x11: {  	[smem:$0x3FB6] =	sst s9;
	s0 =	simm.s32 @!p0 $0x0  }
0x12: {  	s1 =	sld [smem:$0x3F9C];
	s0 =	simm.s32 @p0 $0x1  }
0x13: {  	[smem:$0x3FB7] =	sst s0;
	s0 =	simm.s32 @!p1 $0x0  }
0x14: {  	s2 =	sld [smem:$0x3F9B];
	s0 =	simm.s32 @p1 $0x1  }
0x15: {  	[smem:$0x3FB8] =	sst s0;
	s0 =	simm.s32 @!p2 $0x0  }
0x16: {  	s3 =	sld [smem:$0x3FDB];
	s0 =	simm.s32 @p2 $0x1  }
0x17: {  	s4 =	simm.s32 $0x1BF5;
	[smem:$0x3FBA] =	sst s0  }
0x18: {  	s0 =	sld [smem:$0x3F9D];
	_ =	swait.ge [sflag:s4], $0x0  }
0x19: {  	s7 =	sld [smem:$0x3F9E]  }
0x1a: {  	s8 =	sadd.s32 $0xFFFFE003, lr  }
0x1b: {  	s9 =	sadd.s32 $0xFFFFFEF7, lr;
	s5 =	simm.s32 $0xFFFFFFFF;
	p2 =	slt.u32 s8, $0xFFFFF086  }
0x1c: {  	p1 =	slt.u32 s9, $0xF7A;
	s5 =	simm.s32 @!p2 $0x0  }
0x1d: {  	s5 =	simm.s32 @p1 $0x1;
	p0 =	seq.s32 s7, s2  }
0x1e: {  	s7 =	smul.u32 @!p0 $0xF7A, s2;
	p2 =	seq.s32 @!p0 s5, $0x0  }
0x1f: {  	s9 =	smul.u32 $0xF7A, s1;
	s8 =	simm.s32 @!p0 $0x1BF5;
	p2 =	por !p2, p0  }
0x20: {  	[sflag:s8] =	ssyncset.s32 @!p0 $0xFFFFF086;
	s6 =	sadd.s32 @!p0 s3, s7;
	s7 =	simm.s32 @!p0 $0x108  }
0x21: {  	s3 =	sadd.s32 s3, s9;
	s6 =	sadd.s32 @!p0 $0x88, s6;
	s7 =	simm.s32 @p2 $0x1082  }
0x22: {  	[simem:s7], [sflag:s8] =	dma.local @!p0 [hbm:s6], $0xF7A  }
0x23: {  	s9 =	sor.u32 $0xD0000000, s2;
	s6 =	simm.s32 $0x108;
	_ =	swait.ge @!p0 [sflag:s8], $0x0  }
0x24: {  	s3 =	sadd.s32 $0x88, s3;
	s6 =	simm.s32 @!p1 $0x1082;
	[sflag:s4] =	ssyncset.s32 $0xFFFFF086  }
0x25: {  	[simem:s6], [sflag:s4] =	dma.local [hbm:s3], $0xF7A  }
0x26: {  	[smem:$0x3F9E] =	sst s1;
	(tag) =	ssettag s2;
	_ =	strace s9  }
0x27: {  	s1 =	sld [smem:$0x3FAE]  }
0x28: {  	s2 =	sld [smem:$0x3FAF]  }
0x29: {  	s4 =	sld [smem:$0x3FB1]  }
0x2a: {  	p0 =	seq.s32 s5, $0x0;
	s5 =	sld [smem:$0x3FB2]  }
0x2b: {  	s6 =	sld [smem:$0x3FB3]  }
0x2c: {  	s7 =	sld [smem:$0x3FB4]  }
0x2d: {  	s3 =	simm.s32 $0x108;
	s8 =	sld [smem:$0x3FB5]  }
0x2e: {  	s3 =	simm.s32 @!p0 $0x1082;
	s9 =	sld [smem:$0x3FB6]  }
0x2f: {  	lr =	sadd.s32 s0, s3;
	s0 =	sld [smem:$0x3FAD]  }
0x30: {  	s3 =	sld [smem:$0x3FB0]  }
0x31: {  	[smem:$0x3FB9] =	sst s10  }
0x32: {  	s10 =	sld [smem:$0x3FB7];
	_ =	sdelay $0x3  }
0x33: {  	p0 =	seq.s32 s10, $0x1;
	s10 =	sld [smem:$0x3FB9];
	_ =	sdelay $0x3  }
0x34: {  	[smem:$0x3FB9] =	sst s10  }
0x35: {  	s10 =	sld [smem:$0x3FB8];
	_ =	sdelay $0x3  }
0x36: {  	p1 =	seq.s32 s10, $0x1;
	s10 =	sld [smem:$0x3FB9];
	_ =	sdelay $0x3  }
0x37: {  	[smem:$0x3FB9] =	sst s10  }
0x38: {  	s10 =	sld [smem:$0x3FBA]  }
0x39: {  	_ = 	snop;
	(pc) =	sbr.ind lr, $3  }
0x3a: {  	_ = 	snop  }
0x3b: {  	_ = 	snop  }
0x3c: {  	p2 =	seq.s32 s10, $0x1;
	s10 =	sld [smem:$0x3FB9]  }
0x3d: {  	_ =	shalt  }
0x3e: {  	_ =	shalt  }
0x3f: {  	_ =	shalt  }
0x40: {  	_ =	shalt  }
0x41: {  	_ =	shalt  }
0x42: {  	_ =	shalt  }
0x43: {  	_ =	shalt  }
0x44: {  	_ =	shalt  }
0x45: {  	_ =	shalt  }
0x46: {  	_ =	shalt  }
0x47: {  	_ =	shalt  }
0x48: {  	_ =	shalt  }
0x49: {  	_ =	shalt  }
0x4a: {  	_ =	shalt  }
0x4b: {  	_ =	shalt  }
0x4c: {  	_ =	shalt  }
0x4d: {  	_ =	shalt  }
0x4e: {  	_ =	shalt  }
0x4f: {  	_ =	shalt  }
0x50: {  	_ =	shalt  }
0x51: {  	_ =	shalt  }
0x52: {  	_ =	shalt  }
0x53: {  	_ =	shalt  }
0x54: {  	_ =	shalt  }
0x55: {  	_ =	shalt  }
0x56: {  	_ =	shalt  }
0x57: {  	_ =	shalt  }
0x58: {  	_ =	shalt  }
0x59: {  	_ =	shalt  }
0x5a: {  	_ =	shalt  }
0x5b: {  	_ =	shalt  }
0x5c: {  	_ =	shalt  }
0x5d: {  	_ =	shalt  }
0x5e: {  	_ =	shalt  }
0x5f: {  	_ =	shalt  }
0x60: {  	_ =	shalt  }
0x61: {  	_ =	shalt  }
0x62: {  	_ =	shalt  }
0x63: {  	_ =	shalt  }
0x64: {  	_ =	shalt  }
0x65: {  	_ =	shalt  }
0x66: {  	_ =	shalt  }
0x67: {  	_ =	shalt  }
0x68: {  	_ =	shalt  }
0x69: {  	_ =	shalt  }
0x6a: {  	_ =	shalt  }
0x6b: {  	_ =	shalt  }
0x6c: {  	_ =	shalt  }
0x6d: {  	_ =	shalt  }
0x6e: {  	_ =	shalt  }
0x6f: {  	_ =	shalt  }
0x70: {  	_ =	shalt  }
0x71: {  	_ =	shalt  }
0x72: {  	_ =	shalt  }
0x73: {  	_ =	shalt  }
0x74: {  	_ =	shalt  }
0x75: {  	_ =	shalt  }
0x76: {  	_ =	shalt  }
0x77: {  	_ =	shalt  }
0x78: {  	_ =	shalt  }
0x79: {  	_ =	shalt  }
0x7a: {  	_ =	shalt  }
0x7b: {  	_ =	shalt  }
0x7c: {  	_ =	shalt  }
0x7d: {  	_ =	shalt  }
0x7e: {  	_ =	shalt  }
0x7f: {  	_ =	shalt  }
0x80: {  	_ =	shalt  }
0x81: {  	_ =	shalt  }
0x82: {  	_ =	shalt  }
0x83: {  	_ =	shalt  }
0x84: {  	_ =	shalt  }
0x85: {  	_ =	shalt  }
0x86: {  	_ =	shalt  }
0x87: {  	_ =	shalt  }
.Lfunc_end0:
.L_simem_size_0:
called_computation_lowered:
.L_overlay_start_0:
0x88: {  	s2 =	sld [smem:$0x3FD9]  }
0x89: {  	s3 =	sld [smem:$0x3FFE];
	_ =	sdelay $0x1  }
0x8a: {  	s1 =	srdreg.scid  }
0x8b: {  	s0 =	sand.u32 $0x1, s1  }
0x8c: {  	s17 =	sshll.u32 s0, $0xA;
	s2 =	sadd.s32 s3, s2  }
0x8d: {  	s2 =	sadd.s32 s2, s17  }
0x8e: {  	[smem:$0x3FC5] =	sst s2  }
0x8f: {  	_ = 	snop  }
0x90: {  	s2 =	sld [smem:$0x3FD0];
	(tm) =	ssettm $0x1  }
0x91: {  	s18 =	sld [smem:$0x3FFB];
	_ =	sdelay $0x3  }
0x92: {  	_ =	strace s18  }
0x93: {  	s3 =	sld [smem:$0x3FFC];
	_ =	sdelay $0x3  }
0x94: {  	_ =	strace s3  }
0x95: {  	s3 =	sld [smem:$0x3FFD];
	_ =	sdelay $0x3  }
0x96: {  	_ =	strace s3  }
0x97: {  	_ =	strace $0x8FFFFFFF  }
0x98: {  	s19 =	sld [smem:$0x3FDB];
	_ =	sdelay $0x1  }
0x99: {  	s4 =	simm.s32 $_scs_section_size  }
0x9a: {  	s5 =	simm.s32 $_size__tile_overlayer_lowered;
	s6 =	simm.s32 $_tile_overlayer_lowered  }
0x9b: {  	s22 =	simm.s32 $0x1BFF;
	s21 =	sshll.u32 s6, $0x1;
	s3 =	sadd.s32 s4, s19  }
0x9c: {  	s7 =	simm.s32 $0x0;
	s20 =	sshll.u32 s5, $0x1;
	s5 =	sadd.s32 s21, s3  }
0x9d: {  	[timem:s7], [sflag:s22] =	dma.local [hbm:s5], s20  }
0x9e: {  	_ =	swait.ge [sflag:s22], s20  }
0x9f: {  	s4 =	ssub.s32 $0x0, s20;
	[sflag:s22] =	ssyncset.done $0x0  }
0xa0: {  	[sflag:s22] =	ssyncadd.s32 s4;
	_ =	sdelay $0x1  }
0xa1: {  	s23 =	simm.s32 $0x1B8B  }
0xa2: {  	_ =	swait.ge [sflag:s23], $0x1  }
0xa3: {  	[sflag:s23] =	ssyncset.done $0x0  }
0xa4: {  	s25 =	simm.s32 $0x1B8E;
	s24 =	sld [smem:$0x3FFE];
	[sflag:s23] =	ssyncadd.s32 $0xFFFFFFFF  }
0xa5: {  	s26 =	simm.s32 $execute0_lowered;
	[smem:$0x3FD2] =	sst s25  }
0xa6: {  	s5 =	sshll.u32 s26, $0x1;
	_ =	strace $0x80000046;
	[dreg:$0x1] =	wrdreg $0xFFFFFFFF  }
0xa7: {  	s28 =	simm.s32 $_size_execute0_lowered;
	s3 =	sadd.s32 s3, s5;
	[dreg:$0x0] =	wrdreg $0x0  }
0xa8: {  	s5 =	sshll.u32 s28, $0x1;
	[dreg:$0x2] =	wrdreg s3  }
0xa9: {  	[dreg:$0x3] =	wrdreg s5  }
0xaa: {  	[dreg:$0x4] =	wrdreg $0xC0  }
0xab: {  	_ =	task [dreg:s7], $0x5FFFF  }
0xac: {  	[dreg:$0x1] =	wrdreg $0xFFFFFFFF  }
0xad: {  	[dreg:$0x0] =	wrdreg $0x60  }
0xae: {  	[dreg:$0x2] =	wrdreg s2  }
0xaf: {  	[dreg:$0x3] =	wrdreg s24  }
0xb0: {  	[dreg:$0x4] =	wrdreg $0x9  }
0xb1: {  	_ =	task.clear_ibuf [dreg:s7], $0x5FFFF;
	_ =	strace $0x90000046  }
0xb2: {  	s29 =	simm.s32 $0x9;
	_ =	strace $0x80000048  }
0xb3: {  	_ =	swait.ge [sflag:s29], $0x1  }
0xb4: {  	[sflag:s29] =	ssyncadd.s32 $0xFFFFFFFF  }
0xb5: {  	_ =	strace $0x90000048  }
0xb6: {  	_ =	sfence  }
0xb7: {  	s30 =	sld [smem:$0x0];
	_ =	sdelay $0x2  }
0xb8: {  	s31 =	sshll.u32 s1, $0xD;
	s1 =	sshrl.u32 s1, $0x2  }
0xb9: {  	s3 =	sand.u32 $0x4000, s31;
	s1 =	sadd.s32 s1, s30  }
0xba: {  	s0 =	sor.u32 s3, s0;
	s1 =	sshll.u32 s1, $0x11  }
0xbb: {  	s0 =	sor.u32 s1, s0  }
0xbc: {  	s0 =	sadd.s32 $0x8F2B, s0  }
0xbd: {  	[sflag:s0] =	ssyncadd.remote.s32 $0x1  }
0xbe: {  	_ =	sfence.sel $0xFFFF  }
0xbf: {  	[dreg:$0x0] =	wrdreg $0xFFFFFFFF;
	(pc) =	sbr.abs _section_cstart, $3  }
0xc0: {  	[dreg:$0x1] =	wrdreg $0xFFFFFFFF  }
0xc1: {  	_ =	task.clear_ibuf [dreg:s7], $0x2FFFF;
	_ =	strace $0x9FFFFFFF  }
0xc2: {  	(tm) =	ssettm $0x7FFFFFFF  }
0xc3: {  	_ =	shalt  }
tec
execute0_lowered:
.L_overlay_start_1:
0x0: {  	(tag) =	ssettag $0x1  }
0x1: {  	s0 =	srdreg.scid;
	s4 =	rddreg [dreg:$0x0]  }
0x2: {  	s5 =	rddreg [dreg:$0x1];
	s3 =	sand.u32 $0x1, s0  }
0x3: {  	s2 =	simm.s32 $0x0;
	s0 =	stileid.u32;
	s1 =	sshll.u32 s3, $0x4  }
0x4: {  	s9 =	simm.s32 $0x80;
	s10 =	simm.s32 $0x400;
	s6 =	sor.u32 s0, s1  }
0x5: {  	s11 =	simm.s32 $0x0;
	[smem:$0x7FF] =	sst s2;
	s7 =	sshrl.u32 s6, $0x3  }
0x6: {  	s8 =	sshll.u32 s0, $0x7;
	s30 =	ssub.s32 $0x2, s3;
	s7 =	smul.u32 $0x14000, s7  }
0x7: {  	s3 =	sadd.s32 $0x1200, s5;
	s8 =	sand.u32 $0x380, s8;
	s6 =	smul.u32 $0x500, s6  }
0x8: {  	s1 =	rddreg [dreg:$0x2];
	_ =	strace $0x80000047;
	s7 =	sor.u32 s8, s7  }
0x9: {  	s31 =	sshrl.u32 s30, $0x1;
	s4 =	sadd.s32 s4, s6;
	s7 =	sshrl.u32 s7, $0x3  }
0xa: {  	s8 =	simm.s32 $0x1;
	s5 =	sadd.s32 s7, s5;
	s7 =	ssub.s32 s30, s31  }
0xb: {  	v0 =	vimm.f32 $1.000000000e+00;
	s5 =	sadd.s32 $0x1800, s5;
	s6 =	smax.u32 s7, $0x1;
	s7 =	simm.s32 $0x2800  }
.LBB2_1:
0xc: {  	[tilespmem:s7], [sflag:$0x1] =	stream.linear.gather [hbm4b:s3+s2], $0x2800, $0x38;
	[tilespmem:$0x5000] =	vst v63  }
0xd: {  	_ =	swait.ge [sflag:s8], $0x2800  }
0xe: {  	[sflag:s8] =	ssyncset.done $0x0  }
0xf: {  	[sflag:s8] =	ssyncadd.s32 $0xFFFFD800  }
0x10: {  	[tilespmem:s2], [sflag:$0x1] =	stream.linear.gather [hbm4b:s4+s2], $0x2800, $0x38;
	[tilespmem:$0x5000] =	vst v63  }
0x11: {  	_ =	swait.ge [sflag:s8], $0x2800  }
0x12: {  	[sflag:s8] =	ssyncset.done $0x0  }
0x13: {  	s12 =	simm.s32 $0x0;
	[sflag:s8] =	ssyncadd.s32 $0xFFFFD800  }
.LBB2_2:
0x14: {  	s13 =	sshra.s32 s12, $0x2  }
0x15: {  	v1 =	vld [tilespmem:s13+$0x0];
	_ =	sdelay $0x7  }
0x16: {  	[tilespmem:v1+s7+$0x0] =	vst.idx.add.f32.msk $0xffff, v0  }
0x17: {  	v1 =	vld [tilespmem:s13+$0x10];
	_ =	sdelay $0x7  }
0x18: {  	[tilespmem:v1+s7+$0x0] =	vst.idx.add.f32.msk $0xffff, v0  }
0x19: {  	v1 =	vld [tilespmem:s13+$0x20];
	_ =	sdelay $0x7  }
0x1a: {  	[tilespmem:v1+s7+$0x0] =	vst.idx.add.f32.msk $0xffff, v0  }
0x1b: {  	v1 =	vld [tilespmem:s13+$0x30];
	_ =	sdelay $0x7  }
0x1c: {  	[tilespmem:v1+s7+$0x0] =	vst.idx.add.f32.msk $0xffff, v0  }
0x1d: {  	v1 =	vld [tilespmem:s13+$0x40];
	_ =	sdelay $0x7  }
0x1e: {  	[tilespmem:v1+s7+$0x0] =	vst.idx.add.f32.msk $0xffff, v0  }
0x1f: {  	v1 =	vld [tilespmem:s13+$0x50];
	_ =	sdelay $0x7  }
0x20: {  	[tilespmem:v1+s7+$0x0] =	vst.idx.add.f32.msk $0xffff, v0  }
0x21: {  	v1 =	vld [tilespmem:s13+$0x60];
	_ =	sdelay $0x7  }
0x22: {  	[tilespmem:v1+s7+$0x0] =	vst.idx.add.f32.msk $0xffff, v0  }
0x23: {  	v1 =	vld [tilespmem:s13+$0x70];
	_ =	sdelay $0x2  }
0x24: {  	p0 =	sne.s32 s12, $0x9E00  }
.Ltmp0:
0x25: {  	_ = 	snop;
	(pc) =	sbr.rel @p0 .LBB2_2-.Ltmp0, $2  }
0x26: {  	_ =	sdelay $0x2  }
0x27: {  	s12 =	sadd.s32 $0x200, s12;
	[tilespmem:v1+s7+$0x0] =	vst.idx.add.f32.msk $0xffff, v0  }
0x28: {  	s11 =	sadd.s32 $0x1, s11  }
0x29: {  	p0 =	sne.s32 s11, s6  }
.Ltmp1:
0x2a: {  	_ = 	snop;
	(pc) =	sbr.rel @p0 .LBB2_1-.Ltmp1, $4  }
0x2b: {  	[hbm4b:s5+s9] =	stream.strided.scatter [tilespmem:s7], [sflag:$0x1], $0x2800, s10, s9, $0x38;
	[tilespmem:$0x5000] =	vst v63  }
0x2c: {  	_ =	swait.ge [sflag:s8], $0x2800  }
0x2d: {  	[sflag:s8] =	ssyncset.done $0x0  }
0x2e: {  	[sflag:s8] =	ssyncadd.s32 $0xFFFFD800  }
0x2f: {  	_ =	sfence.sel $0x180000  }
0x30: {  	[bflag:$0x0] =	sbarrier.arrive $0xFFFF  }
0x31: {  	p0 =	sne.s32 s0, $0x0;
	_ =	strace $0x90000047  }
0x32: {  	s0 =	sadd.s32 @!p0 $0x100000, s1;
	[bflag:$0x2] =	sbarrier.arrive $0xFFFF  }
0x33: {  	[sflag:s0] =	ssyncadd.tile.s32 @!p0 $0x1;
	_ =	shalt  }
.Lfunc_end2:
_tile_overlayer_lowered:
.L_overlay_start_2:
0x34: {  	(tag) =	ssettag $0x2  }
0x35: {  	s0 =	rddreg [dreg:$0x0];
	s2 =	stileid.u32  }
0x36: {  	s1 =	rddreg [dreg:$0x1];
	p0 =	sne.s32 s2, $0x0  }
0x37: {  	s3 =	rddreg [dreg:$0x2];
	[bflag:$0x3] =	sbarrier.arrive $0xFFFF;
	s2 =	simm.s32 @!p0 $0x1C01  }
0x38: {  	[timem:s3], [sflag:s2] =	dma.local @!p0 [hbm:s0], s1  }
0x39: {  	s0 =	simm.s32 @!p0 $0x1  }
0x3a: {  	_ =	swait.ge @!p0 [sflag:s0], s1  }
0x3b: {  	s1 =	ssub.s32 @!p0 $0x0, s1;
	[sflag:s0] =	ssyncset.done @!p0 $0x0  }
0x3c: {  	[sflag:s0] =	ssyncadd.s32 @!p0 s1  }
0x3d: {  	[bflag:$0x3] =	sbarrier.arrive $0xFFFF  }
0x3e: {  	_ =	shalt  }

</sc_bundles>
